<compile_context>
chip_gen: v7x
topology: tpu7x:2x2x1
jax: 0.10.2.dev20260603
libtpu: 0.0.44.dev20260713+nightly
codegen_flags: <defaults>
</compile_context>

<pallas_src>
import functools

import jax
import jax.numpy as jnp
from jax import lax
from jax.experimental import pallas as pl
from jax.experimental.pallas import tpu as pltpu
from jax.experimental.pallas import tpu_sc as plsc

E = 8
TOPK = 2
T = 2048
D = 2048
DFF = 768
TM = 256
NCHUNK = T // TM
NPAIR = 2 * TM
TG = 256
P = T * TOPK + E * TG
NT = P // TG

NC = 2
NS = 16
NW = NC * NS



def _top2(x, gate_w):
    logits = lax.dot_general(x, gate_w, (((1,), (1,)), ((), ())),
                             preferred_element_type=jnp.float32)
    logits = logits.astype(jnp.bfloat16).astype(jnp.float32)
    m = jnp.max(logits, axis=1, keepdims=True)
    ex = jnp.exp(logits - m)
    probs = ex / jnp.sum(ex, axis=1, keepdims=True)
    idx = lax.broadcasted_iota(jnp.int32, probs.shape, 1)
    big = jnp.int32(E)
    m1 = jnp.max(probs, axis=1, keepdims=True)
    i1 = jnp.min(jnp.where(probs == m1, idx, big), axis=1, keepdims=True)
    probs2 = jnp.where(idx == i1, -1.0, probs)
    m2 = jnp.max(probs2, axis=1, keepdims=True)
    i2 = jnp.min(jnp.where(probs2 == m2, idx, big), axis=1, keepdims=True)
    s = m1 + m2
    c1 = (m1 / s).astype(jnp.bfloat16).astype(jnp.float32)
    c2 = (m2 / s).astype(jnp.bfloat16).astype(jnp.float32)
    oh1 = jnp.where(idx == i1, 1.0, 0.0)
    oh2 = jnp.where(idx == i2, 1.0, 0.0)
    return c1, c2, oh1, oh2


def _route_kernel(x_ref, gate_ref, pos_ref, w_ref, te_ref, live_ref,
                  carry_ref, base_ref, oh_ref, cw_ref):
    p = pl.program_id(0)
    c = pl.program_id(1)

    @pl.when(p == 0)
    def _():
        c1, c2, oh1, oh2 = _top2(x_ref[...], gate_ref[...])
        oh_ref[c] = jnp.concatenate([oh1, oh2], axis=0)
        cw_ref[c] = jnp.concatenate([c1, c2], axis=1)

    oh = oh_ref[c]

    @pl.when(c == 0)
    def _():
        @pl.when(p == 0)
        def _():
            base_ref[...] = jnp.zeros_like(base_ref)

        @pl.when(p == 1)
        def _():
            totals = carry_ref[...]
            padded = jnp.ceil(totals / TG) * TG
            eidx = lax.broadcasted_iota(jnp.int32, (E, E), 0)
            fidx = lax.broadcasted_iota(jnp.int32, (E, E), 1)
            ut = jnp.where(eidx < fidx, 1.0, 0.0)
            base_ref[...] = lax.dot_general(
                padded, ut, (((1,), (0,)), ((), ())),
                preferred_element_type=jnp.float32)

        carry_ref[...] = jnp.zeros_like(carry_ref)

    r = lax.broadcasted_iota(jnp.int32, (NPAIR, NPAIR), 0)
    cc = lax.broadcasted_iota(jnp.int32, (NPAIR, NPAIR), 1)
    lt = jnp.where(r > cc, 1.0, 0.0)
    excl = lax.dot_general(lt, oh, (((1,), (0,)), ((), ())),
                           preferred_element_type=jnp.float32)
    excl = excl + carry_ref[...]
    carry_ref[...] = carry_ref[...] + jnp.sum(oh, axis=0, keepdims=True)

    pos = jnp.sum(oh * (excl + base_ref[...]), axis=1, keepdims=True)
    pos_i = pos.astype(jnp.int32)
    pos_ref[...] = jnp.broadcast_to(pos_i, (NPAIR, E))
    w_ref[0] = cw_ref[c]

    @pl.when((p == 1) & (c == NCHUNK - 1))
    def _():
        jj = (lax.broadcasted_iota(jnp.int32, (NT, E), 0) * TG
              ).astype(jnp.float32)
        cnt = jnp.sum(jnp.where(base_ref[...] <= jj, 1, 0),
                      axis=1, keepdims=True) - 1
        te_ref[...] = jnp.broadcast_to(cnt, (NT, E))
        tot = carry_ref[...]
        hit = jnp.where((jj >= base_ref[...]) & (jj < base_ref[...] + tot),
                        1, 0)
        live = jnp.sum(hit, axis=1, keepdims=True)
        live_ref[...] = jnp.broadcast_to(live, (NT, E))


def _route(x, gate_w):
    return pl.pallas_call(
        _route_kernel,
        grid=(2, NCHUNK),
        in_specs=[
            pl.BlockSpec((TM, D), lambda p, c: (c * (1 - p), 0)),
            pl.BlockSpec((E, D), lambda p, c: (0, 0)),
        ],
        out_specs=[
            pl.BlockSpec((NPAIR, E), lambda p, c: (c, 0)),
            pl.BlockSpec((1, TM, TOPK), lambda p, c: (c, 0, 0)),
            pl.BlockSpec((NT, E), lambda p, c: (0, 0)),
            pl.BlockSpec((NT, E), lambda p, c: (0, 0)),
        ],
        out_shape=[
            jax.ShapeDtypeStruct((T * TOPK, E), jnp.int32),
            jax.ShapeDtypeStruct((NCHUNK, TM, TOPK), jnp.float32),
            jax.ShapeDtypeStruct((NT, E), jnp.int32),
            jax.ShapeDtypeStruct((NT, E), jnp.int32),
        ],
        scratch_shapes=[
            pltpu.VMEM((1, E), jnp.float32),
            pltpu.VMEM((1, E), jnp.float32),
            pltpu.VMEM((NCHUNK, NPAIR, E), jnp.float32),
            pltpu.VMEM((NCHUNK, TM, TOPK), jnp.float32),
        ],
        compiler_params=pltpu.CompilerParams(
            dimension_semantics=("arbitrary", "arbitrary")),
    )(x, gate_w)



PAIRS_PER_W = (T * TOPK) // NW
SCHUNK = 64


def _scatter_x_kernel(pos_hbm, x_hbm, xs_hbm, idx_v, rows_v, sem):
    x_i = x_hbm.bitcast(jnp.int32)
    xs_i = xs_hbm.bitcast(jnp.int32)
    wid = lax.axis_index("s") * NC + lax.axis_index("c")
    for j in range(PAIRS_PER_W // SCHUNK):
        f0 = wid * PAIRS_PER_W + j * SCHUNK
        tok0 = ((f0 >> 9) << 8) + (f0 & 255)
        pltpu.sync_copy(pos_hbm.at[pl.ds(f0, SCHUNK)], idx_v)
        pltpu.sync_copy(x_i.at[pl.ds(tok0, SCHUNK)], rows_v)
        pltpu.async_copy(rows_v, xs_i.at[idx_v], sem).wait()


def _scatter_x(pos_flat, x3):
    return pl.kernel(
        _scatter_x_kernel,
        out_type=jax.ShapeDtypeStruct((P, 16, 128), jnp.bfloat16),
        mesh=plsc.VectorSubcoreMesh(core_axis_name="c", subcore_axis_name="s"),
        scratch_types=[
            pltpu.VMEM((SCHUNK,), jnp.int32),
            pltpu.VMEM((SCHUNK, 8, 128), jnp.int32),
            pltpu.SemaphoreType.DMA,
        ],
    )(pos_flat, x3)



def _gemm_kernel(te_ref, live_ref, xs_ref, wg_ref, wu_ref, wd_ref, ys_ref):
    i = pl.program_id(0)

    @pl.when(live_ref[i] != 0)
    def _():
        xt = xs_ref[...].reshape(TG, D)
        g = lax.dot_general(xt, wg_ref[0], (((1,), (1,)), ((), ())),
                            preferred_element_type=jnp.float32)
        u = lax.dot_general(xt, wu_ref[0], (((1,), (1,)), ((), ())),
                            preferred_element_type=jnp.float32)
        g16 = g.astype(jnp.bfloat16)
        u16 = u.astype(jnp.bfloat16)
        sig = 1.0 / (1.0 + jnp.exp(-g16.astype(jnp.float32)))
        h = ((g16.astype(jnp.float32) * sig).astype(jnp.bfloat16) * u16)
        y = lax.dot_general(h, wd_ref[0], (((1,), (1,)), ((), ())),
                            preferred_element_type=jnp.float32)
        ys_ref[...] = y.astype(jnp.bfloat16).reshape(TG, 16, 128)


def _grouped_gemm(te, live, xs3, w_gate, w_up, w_down):
    grid_spec = pltpu.PrefetchScalarGridSpec(
        num_scalar_prefetch=2,
        grid=(NT,),
        in_specs=[
            pl.BlockSpec((TG, 16, 128), lambda i, te, lv: (i, 0, 0)),
            pl.BlockSpec((1, DFF, D), lambda i, te, lv: (te[i], 0, 0)),
            pl.BlockSpec((1, DFF, D), lambda i, te, lv: (te[i], 0, 0)),
            pl.BlockSpec((1, D, DFF), lambda i, te, lv: (te[i], 0, 0)),
        ],
        out_specs=pl.BlockSpec((TG, 16, 128), lambda i, te, lv: (i, 0, 0)),
    )
    return pl.pallas_call(
        _gemm_kernel,
        grid_spec=grid_spec,
        out_shape=jax.ShapeDtypeStruct((P, 16, 128), jnp.bfloat16),
        compiler_params=pltpu.CompilerParams(
            dimension_semantics=("arbitrary",)),
    )(te, live, xs3, w_gate, w_up, w_down)



TOK_PER_W = T // NW


def _gather_y_kernel(idx0_hbm, idx1_hbm, ys_hbm, r0_hbm, r1_hbm,
                     idx_v, rows_v, sem):
    ys_i = ys_hbm.bitcast(jnp.int32)
    wid = lax.axis_index("s") * NC + lax.axis_index("c")
    base = wid * TOK_PER_W
    for src, dst in ((idx0_hbm, r0_hbm), (idx1_hbm, r1_hbm)):
        pltpu.sync_copy(src.at[pl.ds(base, TOK_PER_W)], idx_v)
        pltpu.async_copy(ys_i.at[idx_v], rows_v, sem).wait()
        pltpu.sync_copy(rows_v, dst.bitcast(jnp.int32).at[pl.ds(base, TOK_PER_W)])


def _gather_y(idx0, idx1, ys3):
    return pl.kernel(
        _gather_y_kernel,
        out_type=[
            jax.ShapeDtypeStruct((T, 16, 128), jnp.bfloat16),
            jax.ShapeDtypeStruct((T, 16, 128), jnp.bfloat16),
        ],
        mesh=plsc.VectorSubcoreMesh(core_axis_name="c", subcore_axis_name="s"),
        scratch_types=[
            pltpu.VMEM((TOK_PER_W,), jnp.int32),
            pltpu.VMEM((TOK_PER_W, 8, 128), jnp.int32),
            pltpu.SemaphoreType.DMA,
        ],
    )(idx0, idx1, ys3)



def _combine_kernel(r0_ref, r1_ref, w_ref, out_ref):
    w0 = w_ref[:, 0:1].astype(jnp.bfloat16)[:, :, None]
    w1 = w_ref[:, 1:2].astype(jnp.bfloat16)[:, :, None]
    out = w0 * r0_ref[...] + w1 * r1_ref[...]
    out_ref[...] = out.reshape(TM, D)


def _combine(r0, r1, wt):
    return pl.pallas_call(
        _combine_kernel,
        grid=(NCHUNK,),
        in_specs=[
            pl.BlockSpec((TM, 16, 128), lambda c: (c, 0, 0)),
            pl.BlockSpec((TM, 16, 128), lambda c: (c, 0, 0)),
            pl.BlockSpec((TM, TOPK), lambda c: (c, 0)),
        ],
        out_specs=pl.BlockSpec((TM, D), lambda c: (c, 0)),
        out_shape=jax.ShapeDtypeStruct((T, D), jnp.bfloat16),
        compiler_params=pltpu.CompilerParams(
            dimension_semantics=("arbitrary",)),
    )(r0, r1, wt)



def kernel(hidden_states, gate_w, w_gate, w_up, w_down):
    b, s, d = hidden_states.shape
    x = hidden_states.reshape(-1, d)

    pos_rep, w_t, te_rep, live_rep = _route(x, gate_w)
    pos_flat = pos_rep[:, 0]
    pos3 = pos_flat.reshape(NCHUNK, TOPK, TM)
    idx0 = pos3[:, 0, :].reshape(T)
    idx1 = pos3[:, 1, :].reshape(T)
    wt = w_t.reshape(T, TOPK)
    te = te_rep[:, 0]
    live = live_rep[:, 0]

    x3 = x.reshape(T, 16, 128)
    xs3 = _scatter_x(pos_flat, x3)
    ys3 = _grouped_gemm(te, live, xs3, w_gate, w_up, w_down)
    r0, r1 = _gather_y(idx0, idx1, ys3)
    out = _combine(r0, r1, wt)
    return out.reshape(b, s, d)

# --- scband reference (transcript-rebuilt; emitter-appended) ---
"""Pipeline reference for scband-qwen3-moe-sparse-moe-block-90984587198973 (READ-ONLY COPY).

The authoritative reference and input builder live on the scoring server;
editing this copy changes nothing except your own understanding.
"""

import jax, jax.numpy as jnp
import numpy as np

E = 8
TOPK = 2
D = 2048
DFF = 768
B = 1
S = 2048
NORM_TOPK_PROB = True


def setup_inputs(seed: int = 0) -> dict:
    key = jax.random.key(seed)
    ks = jax.random.split(key, 5)
    hidden_states = jax.random.normal(ks[0], (B, S, D), dtype=jnp.float32).astype(jnp.bfloat16)
    # router gate: nn.Linear(hidden_size, num_experts, bias=False) -> weight [E, D]
    gate_w = (jax.random.normal(ks[1], (E, D), dtype=jnp.float32) * 0.02).astype(jnp.bfloat16)
    # per-expert MLP weights (torch Linear layout: [out, in])
    w_gate = (jax.random.normal(ks[2], (E, DFF, D), dtype=jnp.float32) * 0.02).astype(jnp.bfloat16)
    w_up = (jax.random.normal(ks[3], (E, DFF, D), dtype=jnp.float32) * 0.02).astype(jnp.bfloat16)
    w_down = (jax.random.normal(ks[4], (E, D, DFF), dtype=jnp.float32) * 0.02).astype(jnp.bfloat16)
    return {"hidden_states": hidden_states, "gate_w": gate_w, "w_gate": w_gate, "w_up": w_up, "w_down": w_down}


def reference(hidden_states, gate_w, w_gate, w_up, w_down):
    b, s, d = hidden_states.shape
    x = hidden_states.reshape(-1, d)
    T = x.shape[0]
    # router
    router_logits = x @ gate_w.T  # [T, E]
    routing_weights = jax.nn.softmax(router_logits.astype(jnp.float32), axis=1)
    rw, selected_experts = jax.lax.top_k(routing_weights, TOPK)  # [T, K]
    if NORM_TOPK_PROB:
        rw = rw / jnp.sum(rw, axis=-1, keepdims=True)
    rw = rw.astype(hidden_states.dtype)
    # scatter top-k weights into dense [T, E] combine matrix (zero for unselected experts)
    combine = jnp.zeros((T, E), dtype=hidden_states.dtype)
    combine = combine.at[jnp.arange(T)[:, None], selected_experts].add(rw)
    # fused experts: silu(x @ Wg^T) * (x @ Wu^T) @ Wd^T, weighted-combined over experts
    out = jnp.zeros_like(x)
    for e in range(E):
        g = x @ w_gate[e].T
        u = x @ w_up[e].T
        h = jax.nn.silu(g) * u
        y = h @ w_down[e].T
        out = out + combine[:, e:e + 1] * y
    return out.reshape(b, s, d)

if __name__ == "__main__":
    import jax
    _d = setup_inputs()
    print(jax.jit(kernel)(*tuple(_d.values())))

</pallas_src>

<mosaic_0001>
#map = affine_map<(d0, d1) -> (0)>
#map1 = affine_map<(d0, d1) -> (0, 0, 0)>
module attributes {stable_mosaic.version = 14 : i64} {
  func.func @_scatter_x_kernel(%arg0: i32, %arg1: i32, %arg2: memref<4096xi32, #tpu.memory_space<hbm>>, %arg3: memref<2048x16x128xbf16, #tpu.memory_space<hbm>>, %arg4: memref<6144x16x128xbf16, #tpu.memory_space<hbm>>, %arg5: memref<64xi32, #tpu.memory_space<vmem>>, %arg6: memref<64x8x128xi32, #tpu.memory_space<vmem>>, %arg7: memref<!tpu.dma_semaphore, #tpu.memory_space<semaphore_mem>>) attributes {dimension_semantics = [#tpu.dimension_semantics<core_parallel>, #tpu.dimension_semantics<subcore_parallel>], iteration_bounds = array<i64: 2, 16>, scalar_prefetch = 0 : i64, scratch_operands = 3 : i64, tpu.core_type = #tpu.core_type<sc_vector_subcore>, window_params = [{transform_indices = #map}, {transform_indices = #map1}, {transform_indices = #map1}]} {
    %mul3A = arith.constant 2 : i32
    %mul3A_0 = arith.muli %arg1, %mul3A : i32
    %add3A = arith.addi %mul3A_0, %arg0 : i32
    %mul3A_1 = arith.constant 128 : i32
    %mul3A_2 = arith.muli %add3A, %mul3A_1 : i32
    %add3A_3 = arith.constant 0 : i32
    %add3A_4 = arith.addi %mul3A_2, %add3A_3 : i32
    %shift_right_arithmetic3A = arith.constant 9 : i32
    %shift_right_arithmetic3A_5 = arith.shrsi %add3A_4, %shift_right_arithmetic3A : i32
    %shift_left3A = arith.constant 8 : i32
    %shift_left3A_6 = arith.shli %shift_right_arithmetic3A_5, %shift_left3A : i32
    %and3A = arith.constant 255 : i32
    %and3A_7 = arith.andi %add3A_4, %and3A : i32
    %add3A_8 = arith.addi %shift_left3A_6, %and3A_7 : i32
    "tpu.region"() ({
      %run_scoped3A = tpu.sem_alloc : memref<!tpu.dma_semaphore, #tpu.memory_space<semaphore_mem>>
      %dma_start3A_38 = tpu.memref_slice %arg2[%add3A_4] : memref<4096xi32, #tpu.memory_space<hbm>> -> memref<64xi32, #tpu.memory_space<hbm>>
      %dma_start3A_39 = tpu.memref_slice %arg2[%add3A_4] : memref<4096xi32, #tpu.memory_space<hbm>> -> memref<64xi32, #tpu.memory_space<hbm>>
      tpu.enqueue_dma source(%dma_start3A_39 : memref<64xi32, #tpu.memory_space<hbm>>) target(%arg5 : memref<64xi32, #tpu.memory_space<vmem>>) target_semaphore(%run_scoped3A : memref<!tpu.dma_semaphore, #tpu.memory_space<semaphore_mem>>)
      %dma_wait3A_40 = tpu.memref_slice %arg2[%add3A_4] : memref<4096xi32, #tpu.memory_space<hbm>> -> memref<64xi32, #tpu.memory_space<hbm>>
      %dma_wait3A_41 = tpu.memref_slice %arg2[%add3A_4] : memref<4096xi32, #tpu.memory_space<hbm>> -> memref<64xi32, #tpu.memory_space<hbm>>
      tpu.wait_dma2 semaphore(%run_scoped3A : memref<!tpu.dma_semaphore, #tpu.memory_space<semaphore_mem>>) src(%dma_wait3A_41 : memref<64xi32, #tpu.memory_space<hbm>>) dst(%arg5 : memref<64xi32, #tpu.memory_space<vmem>>)
      tpu.yield
    }) : () -> ()
    "tpu.region"() ({
      %run_scoped3A = tpu.sem_alloc : memref<!tpu.dma_semaphore, #tpu.memory_space<semaphore_mem>>
      %dma_start3A_38 = tpu.memref_bitcast %arg3 : memref<2048x16x128xbf16, #tpu.memory_space<hbm>> -> memref<2048x8x128xi32, #tpu.memory_space<hbm>>
      %dma_start3A_39 = arith.constant 0 : i32
      %dma_start3A_40 = arith.constant 0 : i32
      %dma_start3A_41 = tpu.memref_slice %dma_start3A_38[%add3A_8, %dma_start3A_39, %dma_start3A_40] : memref<2048x8x128xi32, #tpu.memory_space<hbm>> -> memref<64x8x128xi32, #tpu.memory_space<hbm>>
      %dma_start3A_42 = tpu.memref_bitcast %arg3 : memref<2048x16x128xbf16, #tpu.memory_space<hbm>> -> memref<2048x8x128xi32, #tpu.memory_space<hbm>>
      %dma_start3A_43 = arith.constant 0 : i32
      %dma_start3A_44 = arith.constant 0 : i32
      %dma_start3A_45 = tpu.memref_slice %dma_start3A_42[%add3A_8, %dma_start3A_43, %dma_start3A_44] : memref<2048x8x128xi32, #tpu.memory_space<hbm>> -> memref<64x8x128xi32, #tpu.memory_space<hbm>>
      tpu.enqueue_dma source(%dma_start3A_45 : memref<64x8x128xi32, #tpu.memory_space<hbm>>) target(%arg6 : memref<64x8x128xi32, #tpu.memory_space<vmem>>) target_semaphore(%run_scoped3A : memref<!tpu.dma_semaphore, #tpu.memory_space<semaphore_mem>>)
      %dma_wait3A_46 = tpu.memref_bitcast %arg3 : memref<2048x16x128xbf16, #tpu.memory_space<hbm>> -> memref<2048x8x128xi32, #tpu.memory_space<hbm>>
      %dma_wait3A_47 = arith.constant 0 : i32
      %dma_wait3A_48 = arith.constant 0 : i32
      %dma_wait3A_49 = tpu.memref_slice %dma_wait3A_46[%add3A_8, %dma_wait3A_47, %dma_wait3A_48] : memref<2048x8x128xi32, #tpu.memory_space<hbm>> -> memref<64x8x128xi32, #tpu.memory_space<hbm>>
      %dma_wait3A_50 = tpu.memref_bitcast %arg3 : memref<2048x16x128xbf16, #tpu.memory_space<hbm>> -> memref<2048x8x128xi32, #tpu.memory_space<hbm>>
      %dma_wait3A_51 = arith.constant 0 : i32
      %dma_wait3A_52 = arith.constant 0 : i32
      %dma_wait3A_53 = tpu.memref_slice %dma_wait3A_50[%add3A_8, %dma_wait3A_51, %dma_wait3A_52] : memref<2048x8x128xi32, #tpu.memory_space<hbm>> -> memref<64x8x128xi32, #tpu.memory_space<hbm>>
      tpu.wait_dma2 semaphore(%run_scoped3A : memref<!tpu.dma_semaphore, #tpu.memory_space<semaphore_mem>>) src(%dma_wait3A_53 : memref<64x8x128xi32, #tpu.memory_space<hbm>>) dst(%arg6 : memref<64x8x128xi32, #tpu.memory_space<vmem>>)
      tpu.yield
    }) : () -> ()
    %dma_start3A = tpu.memref_bitcast %arg4 : memref<6144x16x128xbf16, #tpu.memory_space<hbm>> -> memref<6144x8x128xi32, #tpu.memory_space<hbm>>
    %dma_start3A_9 = arith.constant 0 : i32
    %dma_start3A_10 = arith.constant 0 : i32
    %dma_start3A_11 = arith.constant 0 : i32
    %dma_start3A_12 = tpu.memref_slice %dma_start3A[%dma_start3A_9, %dma_start3A_10, %dma_start3A_11] : memref<6144x8x128xi32, #tpu.memory_space<hbm>> -> memref<6144x8x128xi32, #tpu.memory_space<hbm>>
    tpu.enqueue_indirect_dma source(%arg6 : memref<64x8x128xi32, #tpu.memory_space<vmem>>) target(%dma_start3A_12 : memref<6144x8x128xi32, #tpu.memory_space<hbm>>) offsets(%arg5 : memref<64xi32, #tpu.memory_space<vmem>>) semaphore(%arg7 : memref<!tpu.dma_semaphore, #tpu.memory_space<semaphore_mem>>)
    %dma_wait3A = tpu.memref_bitcast %arg4 : memref<6144x16x128xbf16, #tpu.memory_space<hbm>> -> memref<6144x8x128xi32, #tpu.memory_space<hbm>>
    %dma_wait3A_13 = arith.constant 0 : i32
    %dma_wait3A_14 = arith.constant 0 : i32
    %dma_wait3A_15 = arith.constant 0 : i32
    %dma_wait3A_16 = tpu.memref_slice %dma_wait3A[%dma_wait3A_13, %dma_wait3A_14, %dma_wait3A_15] : memref<6144x8x128xi32, #tpu.memory_space<hbm>> -> memref<6144x8x128xi32, #tpu.memory_space<hbm>>
    tpu.wait_indirect_dma semaphore(%arg7 : memref<!tpu.dma_semaphore, #tpu.memory_space<semaphore_mem>>) src(%arg6 : memref<64x8x128xi32, #tpu.memory_space<vmem>>) dst(%dma_wait3A_16 : memref<6144x8x128xi32, #tpu.memory_space<hbm>>)
    %mul3A_17 = arith.constant 128 : i32
    %mul3A_18 = arith.muli %add3A, %mul3A_17 : i32
    %add3A_19 = arith.constant 64 : i32
    %add3A_20 = arith.addi %mul3A_18, %add3A_19 : i32
    %shift_right_arithmetic3A_21 = arith.constant 9 : i32
    %shift_right_arithmetic3A_22 = arith.shrsi %add3A_20, %shift_right_arithmetic3A_21 : i32
    %shift_left3A_23 = arith.constant 8 : i32
    %shift_left3A_24 = arith.shli %shift_right_arithmetic3A_22, %shift_left3A_23 : i32
    %and3A_25 = arith.constant 255 : i32
    %and3A_26 = arith.andi %add3A_20, %and3A_25 : i32
    %add3A_27 = arith.addi %shift_left3A_24, %and3A_26 : i32
    "tpu.region"() ({
      %run_scoped3A = tpu.sem_alloc : memref<!tpu.dma_semaphore, #tpu.memory_space<semaphore_mem>>
      %dma_start3A_38 = tpu.memref_slice %arg2[%add3A_20] : memref<4096xi32, #tpu.memory_space<hbm>> -> memref<64xi32, #tpu.memory_space<hbm>>
      %dma_start3A_39 = tpu.memref_slice %arg2[%add3A_20] : memref<4096xi32, #tpu.memory_space<hbm>> -> memref<64xi32, #tpu.memory_space<hbm>>
      tpu.enqueue_dma source(%dma_start3A_39 : memref<64xi32, #tpu.memory_space<hbm>>) target(%arg5 : memref<64xi32, #tpu.memory_space<vmem>>) target_semaphore(%run_scoped3A : memref<!tpu.dma_semaphore, #tpu.memory_space<semaphore_mem>>)
      %dma_wait3A_40 = tpu.memref_slice %arg2[%add3A_20] : memref<4096xi32, #tpu.memory_space<hbm>> -> memref<64xi32, #tpu.memory_space<hbm>>
      %dma_wait3A_41 = tpu.memref_slice %arg2[%add3A_20] : memref<4096xi32, #tpu.memory_space<hbm>> -> memref<64xi32, #tpu.memory_space<hbm>>
      tpu.wait_dma2 semaphore(%run_scoped3A : memref<!tpu.dma_semaphore, #tpu.memory_space<semaphore_mem>>) src(%dma_wait3A_41 : memref<64xi32, #tpu.memory_space<hbm>>) dst(%arg5 : memref<64xi32, #tpu.memory_space<vmem>>)
      tpu.yield
    }) : () -> ()
    "tpu.region"() ({
      %run_scoped3A = tpu.sem_alloc : memref<!tpu.dma_semaphore, #tpu.memory_space<semaphore_mem>>
      %dma_start3A_38 = tpu.memref_bitcast %arg3 : memref<2048x16x128xbf16, #tpu.memory_space<hbm>> -> memref<2048x8x128xi32, #tpu.memory_space<hbm>>
      %dma_start3A_39 = arith.constant 0 : i32
      %dma_start3A_40 = arith.constant 0 : i32
      %dma_start3A_41 = tpu.memref_slice %dma_start3A_38[%add3A_27, %dma_start3A_39, %dma_start3A_40] : memref<2048x8x128xi32, #tpu.memory_space<hbm>> -> memref<64x8x128xi32, #tpu.memory_space<hbm>>
      %dma_start3A_42 = tpu.memref_bitcast %arg3 : memref<2048x16x128xbf16, #tpu.memory_space<hbm>> -> memref<2048x8x128xi32, #tpu.memory_space<hbm>>
      %dma_start3A_43 = arith.constant 0 : i32
      %dma_start3A_44 = arith.constant 0 : i32
      %dma_start3A_45 = tpu.memref_slice %dma_start3A_42[%add3A_27, %dma_start3A_43, %dma_start3A_44] : memref<2048x8x128xi32, #tpu.memory_space<hbm>> -> memref<64x8x128xi32, #tpu.memory_space<hbm>>
      tpu.enqueue_dma source(%dma_start3A_45 : memref<64x8x128xi32, #tpu.memory_space<hbm>>) target(%arg6 : memref<64x8x128xi32, #tpu.memory_space<vmem>>) target_semaphore(%run_scoped3A : memref<!tpu.dma_semaphore, #tpu.memory_space<semaphore_mem>>)
      %dma_wait3A_46 = tpu.memref_bitcast %arg3 : memref<2048x16x128xbf16, #tpu.memory_space<hbm>> -> memref<2048x8x128xi32, #tpu.memory_space<hbm>>
      %dma_wait3A_47 = arith.constant 0 : i32
      %dma_wait3A_48 = arith.constant 0 : i32
      %dma_wait3A_49 = tpu.memref_slice %dma_wait3A_46[%add3A_27, %dma_wait3A_47, %dma_wait3A_48] : memref<2048x8x128xi32, #tpu.memory_space<hbm>> -> memref<64x8x128xi32, #tpu.memory_space<hbm>>
      %dma_wait3A_50 = tpu.memref_bitcast %arg3 : memref<2048x16x128xbf16, #tpu.memory_space<hbm>> -> memref<2048x8x128xi32, #tpu.memory_space<hbm>>
      %dma_wait3A_51 = arith.constant 0 : i32
      %dma_wait3A_52 = arith.constant 0 : i32
      %dma_wait3A_53 = tpu.memref_slice %dma_wait3A_50[%add3A_27, %dma_wait3A_51, %dma_wait3A_52] : memref<2048x8x128xi32, #tpu.memory_space<hbm>> -> memref<64x8x128xi32, #tpu.memory_space<hbm>>
      tpu.wait_dma2 semaphore(%run_scoped3A : memref<!tpu.dma_semaphore, #tpu.memory_space<semaphore_mem>>) src(%dma_wait3A_53 : memref<64x8x128xi32, #tpu.memory_space<hbm>>) dst(%arg6 : memref<64x8x128xi32, #tpu.memory_space<vmem>>)
      tpu.yield
    }) : () -> ()
    %dma_start3A_28 = tpu.memref_bitcast %arg4 : memref<6144x16x128xbf16, #tpu.memory_space<hbm>> -> memref<6144x8x128xi32, #tpu.memory_space<hbm>>
    %dma_start3A_29 = arith.constant 0 : i32
    %dma_start3A_30 = arith.constant 0 : i32
    %dma_start3A_31 = arith.constant 0 : i32
    %dma_start3A_32 = tpu.memref_slice %dma_start3A_28[%dma_start3A_29, %dma_start3A_30, %dma_start3A_31] : memref<6144x8x128xi32, #tpu.memory_space<hbm>> -> memref<6144x8x128xi32, #tpu.memory_space<hbm>>
    tpu.enqueue_indirect_dma source(%arg6 : memref<64x8x128xi32, #tpu.memory_space<vmem>>) target(%dma_start3A_32 : memref<6144x8x128xi32, #tpu.memory_space<hbm>>) offsets(%arg5 : memref<64xi32, #tpu.memory_space<vmem>>) semaphore(%arg7 : memref<!tpu.dma_semaphore, #tpu.memory_space<semaphore_mem>>)
    %dma_wait3A_33 = tpu.memref_bitcast %arg4 : memref<6144x16x128xbf16, #tpu.memory_space<hbm>> -> memref<6144x8x128xi32, #tpu.memory_space<hbm>>
    %dma_wait3A_34 = arith.constant 0 : i32
    %dma_wait3A_35 = arith.constant 0 : i32
    %dma_wait3A_36 = arith.constant 0 : i32
    %dma_wait3A_37 = tpu.memref_slice %dma_wait3A_33[%dma_wait3A_34, %dma_wait3A_35, %dma_wait3A_36] : memref<6144x8x128xi32, #tpu.memory_space<hbm>> -> memref<6144x8x128xi32, #tpu.memory_space<hbm>>
    tpu.wait_indirect_dma semaphore(%arg7 : memref<!tpu.dma_semaphore, #tpu.memory_space<semaphore_mem>>) src(%arg6 : memref<64x8x128xi32, #tpu.memory_space<vmem>>) dst(%dma_wait3A_37 : memref<6144x8x128xi32, #tpu.memory_space<hbm>>)
    return
  }
}

#map = affine_map<(d0, d1) -> (0)>
#map1 = affine_map<(d0, d1) -> (0, 0, 0)>
module attributes {stable_mosaic.version = 14 : i64} {
  func.func @_gather_y_kernel(%arg0: i32, %arg1: i32, %arg2: memref<2048xi32, #tpu.memory_space<hbm>>, %arg3: memref<2048xi32, #tpu.memory_space<hbm>>, %arg4: memref<6144x16x128xbf16, #tpu.memory_space<hbm>>, %arg5: memref<2048x16x128xbf16, #tpu.memory_space<hbm>>, %arg6: memref<2048x16x128xbf16, #tpu.memory_space<hbm>>, %arg7: memref<64xi32, #tpu.memory_space<vmem>>, %arg8: memref<64x8x128xi32, #tpu.memory_space<vmem>>, %arg9: memref<!tpu.dma_semaphore, #tpu.memory_space<semaphore_mem>>) attributes {dimension_semantics = [#tpu.dimension_semantics<core_parallel>, #tpu.dimension_semantics<subcore_parallel>], iteration_bounds = array<i64: 2, 16>, scalar_prefetch = 0 : i64, scratch_operands = 3 : i64, tpu.core_type = #tpu.core_type<sc_vector_subcore>, window_params = [{transform_indices = #map}, {transform_indices = #map}, {transform_indices = #map1}, {transform_indices = #map1}, {transform_indices = #map1}]} {
    %mul3A = arith.constant 2 : i32
    %mul3A_0 = arith.muli %arg1, %mul3A : i32
    %add3A = arith.addi %mul3A_0, %arg0 : i32
    %mul3A_1 = arith.constant 64 : i32
    %mul3A_2 = arith.muli %add3A, %mul3A_1 : i32
    "tpu.region"() ({
      %run_scoped3A = tpu.sem_alloc : memref<!tpu.dma_semaphore, #tpu.memory_space<semaphore_mem>>
      %dma_start3A_21 = tpu.memref_slice %arg2[%mul3A_2] : memref<2048xi32, #tpu.memory_space<hbm>> -> memref<64xi32, #tpu.memory_space<hbm>>
      %dma_start3A_22 = tpu.memref_slice %arg2[%mul3A_2] : memref<2048xi32, #tpu.memory_space<hbm>> -> memref<64xi32, #tpu.memory_space<hbm>>
      tpu.enqueue_dma source(%dma_start3A_22 : memref<64xi32, #tpu.memory_space<hbm>>) target(%arg7 : memref<64xi32, #tpu.memory_space<vmem>>) target_semaphore(%run_scoped3A : memref<!tpu.dma_semaphore, #tpu.memory_space<semaphore_mem>>)
      %dma_wait3A_23 = tpu.memref_slice %arg2[%mul3A_2] : memref<2048xi32, #tpu.memory_space<hbm>> -> memref<64xi32, #tpu.memory_space<hbm>>
      %dma_wait3A_24 = tpu.memref_slice %arg2[%mul3A_2] : memref<2048xi32, #tpu.memory_space<hbm>> -> memref<64xi32, #tpu.memory_space<hbm>>
      tpu.wait_dma2 semaphore(%run_scoped3A : memref<!tpu.dma_semaphore, #tpu.memory_space<semaphore_mem>>) src(%dma_wait3A_24 : memref<64xi32, #tpu.memory_space<hbm>>) dst(%arg7 : memref<64xi32, #tpu.memory_space<vmem>>)
      tpu.yield
    }) : () -> ()
    %dma_start3A = tpu.memref_bitcast %arg4 : memref<6144x16x128xbf16, #tpu.memory_space<hbm>> -> memref<6144x8x128xi32, #tpu.memory_space<hbm>>
    %dma_start3A_3 = arith.constant 0 : i32
    %dma_start3A_4 = arith.constant 0 : i32
    %dma_start3A_5 = arith.constant 0 : i32
    %dma_start3A_6 = tpu.memref_slice %dma_start3A[%dma_start3A_3, %dma_start3A_4, %dma_start3A_5] : memref<6144x8x128xi32, #tpu.memory_space<hbm>> -> memref<6144x8x128xi32, #tpu.memory_space<hbm>>
    tpu.enqueue_indirect_dma source(%dma_start3A_6 : memref<6144x8x128xi32, #tpu.memory_space<hbm>>) target(%arg8 : memref<64x8x128xi32, #tpu.memory_space<vmem>>) offsets(%arg7 : memref<64xi32, #tpu.memory_space<vmem>>) semaphore(%arg9 : memref<!tpu.dma_semaphore, #tpu.memory_space<semaphore_mem>>)
    %dma_wait3A = tpu.memref_bitcast %arg4 : memref<6144x16x128xbf16, #tpu.memory_space<hbm>> -> memref<6144x8x128xi32, #tpu.memory_space<hbm>>
    %dma_wait3A_7 = arith.constant 0 : i32
    %dma_wait3A_8 = arith.constant 0 : i32
    %dma_wait3A_9 = arith.constant 0 : i32
    %dma_wait3A_10 = tpu.memref_slice %dma_wait3A[%dma_wait3A_7, %dma_wait3A_8, %dma_wait3A_9] : memref<6144x8x128xi32, #tpu.memory_space<hbm>> -> memref<6144x8x128xi32, #tpu.memory_space<hbm>>
    tpu.wait_indirect_dma semaphore(%arg9 : memref<!tpu.dma_semaphore, #tpu.memory_space<semaphore_mem>>) src(%dma_wait3A_10 : memref<6144x8x128xi32, #tpu.memory_space<hbm>>) dst(%arg8 : memref<64x8x128xi32, #tpu.memory_space<vmem>>)
    "tpu.region"() ({
      %run_scoped3A = tpu.sem_alloc : memref<!tpu.dma_semaphore, #tpu.memory_space<semaphore_mem>>
      %dma_start3A_21 = tpu.memref_bitcast %arg5 : memref<2048x16x128xbf16, #tpu.memory_space<hbm>> -> memref<2048x8x128xi32, #tpu.memory_space<hbm>>
      %dma_start3A_22 = arith.constant 0 : i32
      %dma_start3A_23 = arith.constant 0 : i32
      %dma_start3A_24 = tpu.memref_slice %dma_start3A_21[%mul3A_2, %dma_start3A_22, %dma_start3A_23] : memref<2048x8x128xi32, #tpu.memory_space<hbm>> -> memref<64x8x128xi32, #tpu.memory_space<hbm>>
      %dma_start3A_25 = tpu.memref_bitcast %arg5 : memref<2048x16x128xbf16, #tpu.memory_space<hbm>> -> memref<2048x8x128xi32, #tpu.memory_space<hbm>>
      %dma_start3A_26 = arith.constant 0 : i32
      %dma_start3A_27 = arith.constant 0 : i32
      %dma_start3A_28 = tpu.memref_slice %dma_start3A_25[%mul3A_2, %dma_start3A_26, %dma_start3A_27] : memref<2048x8x128xi32, #tpu.memory_space<hbm>> -> memref<64x8x128xi32, #tpu.memory_space<hbm>>
      tpu.enqueue_dma source(%arg8 : memref<64x8x128xi32, #tpu.memory_space<vmem>>) target(%dma_start3A_28 : memref<64x8x128xi32, #tpu.memory_space<hbm>>) target_semaphore(%run_scoped3A : memref<!tpu.dma_semaphore, #tpu.memory_space<semaphore_mem>>)
      %dma_wait3A_29 = tpu.memref_bitcast %arg5 : memref<2048x16x128xbf16, #tpu.memory_space<hbm>> -> memref<2048x8x128xi32, #tpu.memory_space<hbm>>
      %dma_wait3A_30 = arith.constant 0 : i32
      %dma_wait3A_31 = arith.constant 0 : i32
      %dma_wait3A_32 = tpu.memref_slice %dma_wait3A_29[%mul3A_2, %dma_wait3A_30, %dma_wait3A_31] : memref<2048x8x128xi32, #tpu.memory_space<hbm>> -> memref<64x8x128xi32, #tpu.memory_space<hbm>>
      %dma_wait3A_33 = tpu.memref_bitcast %arg5 : memref<2048x16x128xbf16, #tpu.memory_space<hbm>> -> memref<2048x8x128xi32, #tpu.memory_space<hbm>>
      %dma_wait3A_34 = arith.constant 0 : i32
      %dma_wait3A_35 = arith.constant 0 : i32
      %dma_wait3A_36 = tpu.memref_slice %dma_wait3A_33[%mul3A_2, %dma_wait3A_34, %dma_wait3A_35] : memref<2048x8x128xi32, #tpu.memory_space<hbm>> -> memref<64x8x128xi32, #tpu.memory_space<hbm>>
      tpu.wait_dma2 semaphore(%run_scoped3A : memref<!tpu.dma_semaphore, #tpu.memory_space<semaphore_mem>>) src(%arg8 : memref<64x8x128xi32, #tpu.memory_space<vmem>>) dst(%dma_wait3A_36 : memref<64x8x128xi32, #tpu.memory_space<hbm>>)
      tpu.yield
    }) : () -> ()
    "tpu.region"() ({
      %run_scoped3A = tpu.sem_alloc : memref<!tpu.dma_semaphore, #tpu.memory_space<semaphore_mem>>
      %dma_start3A_21 = tpu.memref_slice %arg3[%mul3A_2] : memref<2048xi32, #tpu.memory_space<hbm>> -> memref<64xi32, #tpu.memory_space<hbm>>
      %dma_start3A_22 = tpu.memref_slice %arg3[%mul3A_2] : memref<2048xi32, #tpu.memory_space<hbm>> -> memref<64xi32, #tpu.memory_space<hbm>>
      tpu.enqueue_dma source(%dma_start3A_22 : memref<64xi32, #tpu.memory_space<hbm>>) target(%arg7 : memref<64xi32, #tpu.memory_space<vmem>>) target_semaphore(%run_scoped3A : memref<!tpu.dma_semaphore, #tpu.memory_space<semaphore_mem>>)
      %dma_wait3A_23 = tpu.memref_slice %arg3[%mul3A_2] : memref<2048xi32, #tpu.memory_space<hbm>> -> memref<64xi32, #tpu.memory_space<hbm>>
      %dma_wait3A_24 = tpu.memref_slice %arg3[%mul3A_2] : memref<2048xi32, #tpu.memory_space<hbm>> -> memref<64xi32, #tpu.memory_space<hbm>>
      tpu.wait_dma2 semaphore(%run_scoped3A : memref<!tpu.dma_semaphore, #tpu.memory_space<semaphore_mem>>) src(%dma_wait3A_24 : memref<64xi32, #tpu.memory_space<hbm>>) dst(%arg7 : memref<64xi32, #tpu.memory_space<vmem>>)
      tpu.yield
    }) : () -> ()
    %dma_start3A_11 = tpu.memref_bitcast %arg4 : memref<6144x16x128xbf16, #tpu.memory_space<hbm>> -> memref<6144x8x128xi32, #tpu.memory_space<hbm>>
    %dma_start3A_12 = arith.constant 0 : i32
    %dma_start3A_13 = arith.constant 0 : i32
    %dma_start3A_14 = arith.constant 0 : i32
    %dma_start3A_15 = tpu.memref_slice %dma_start3A_11[%dma_start3A_12, %dma_start3A_13, %dma_start3A_14] : memref<6144x8x128xi32, #tpu.memory_space<hbm>> -> memref<6144x8x128xi32, #tpu.memory_space<hbm>>
    tpu.enqueue_indirect_dma source(%dma_start3A_15 : memref<6144x8x128xi32, #tpu.memory_space<hbm>>) target(%arg8 : memref<64x8x128xi32, #tpu.memory_space<vmem>>) offsets(%arg7 : memref<64xi32, #tpu.memory_space<vmem>>) semaphore(%arg9 : memref<!tpu.dma_semaphore, #tpu.memory_space<semaphore_mem>>)
    %dma_wait3A_16 = tpu.memref_bitcast %arg4 : memref<6144x16x128xbf16, #tpu.memory_space<hbm>> -> memref<6144x8x128xi32, #tpu.memory_space<hbm>>
    %dma_wait3A_17 = arith.constant 0 : i32
    %dma_wait3A_18 = arith.constant 0 : i32
    %dma_wait3A_19 = arith.constant 0 : i32
    %dma_wait3A_20 = tpu.memref_slice %dma_wait3A_16[%dma_wait3A_17, %dma_wait3A_18, %dma_wait3A_19] : memref<6144x8x128xi32, #tpu.memory_space<hbm>> -> memref<6144x8x128xi32, #tpu.memory_space<hbm>>
    tpu.wait_indirect_dma semaphore(%arg9 : memref<!tpu.dma_semaphore, #tpu.memory_space<semaphore_mem>>) src(%dma_wait3A_20 : memref<6144x8x128xi32, #tpu.memory_space<hbm>>) dst(%arg8 : memref<64x8x128xi32, #tpu.memory_space<vmem>>)
    "tpu.region"() ({
      %run_scoped3A = tpu.sem_alloc : memref<!tpu.dma_semaphore, #tpu.memory_space<semaphore_mem>>
      %dma_start3A_21 = tpu.memref_bitcast %arg6 : memref<2048x16x128xbf16, #tpu.memory_space<hbm>> -> memref<2048x8x128xi32, #tpu.memory_space<hbm>>
      %dma_start3A_22 = arith.constant 0 : i32
      %dma_start3A_23 = arith.constant 0 : i32
      %dma_start3A_24 = tpu.memref_slice %dma_start3A_21[%mul3A_2, %dma_start3A_22, %dma_start3A_23] : memref<2048x8x128xi32, #tpu.memory_space<hbm>> -> memref<64x8x128xi32, #tpu.memory_space<hbm>>
      %dma_start3A_25 = tpu.memref_bitcast %arg6 : memref<2048x16x128xbf16, #tpu.memory_space<hbm>> -> memref<2048x8x128xi32, #tpu.memory_space<hbm>>
      %dma_start3A_26 = arith.constant 0 : i32
      %dma_start3A_27 = arith.constant 0 : i32
      %dma_start3A_28 = tpu.memref_slice %dma_start3A_25[%mul3A_2, %dma_start3A_26, %dma_start3A_27] : memref<2048x8x128xi32, #tpu.memory_space<hbm>> -> memref<64x8x128xi32, #tpu.memory_space<hbm>>
      tpu.enqueue_dma source(%arg8 : memref<64x8x128xi32, #tpu.memory_space<vmem>>) target(%dma_start3A_28 : memref<64x8x128xi32, #tpu.memory_space<hbm>>) target_semaphore(%run_scoped3A : memref<!tpu.dma_semaphore, #tpu.memory_space<semaphore_mem>>)
      %dma_wait3A_29 = tpu.memref_bitcast %arg6 : memref<2048x16x128xbf16, #tpu.memory_space<hbm>> -> memref<2048x8x128xi32, #tpu.memory_space<hbm>>
      %dma_wait3A_30 = arith.constant 0 : i32
      %dma_wait3A_31 = arith.constant 0 : i32
      %dma_wait3A_32 = tpu.memref_slice %dma_wait3A_29[%mul3A_2, %dma_wait3A_30, %dma_wait3A_31] : memref<2048x8x128xi32, #tpu.memory_space<hbm>> -> memref<64x8x128xi32, #tpu.memory_space<hbm>>
      %dma_wait3A_33 = tpu.memref_bitcast %arg6 : memref<2048x16x128xbf16, #tpu.memory_space<hbm>> -> memref<2048x8x128xi32, #tpu.memory_space<hbm>>
      %dma_wait3A_34 = arith.constant 0 : i32
      %dma_wait3A_35 = arith.constant 0 : i32
      %dma_wait3A_36 = tpu.memref_slice %dma_wait3A_33[%mul3A_2, %dma_wait3A_34, %dma_wait3A_35] : memref<2048x8x128xi32, #tpu.memory_space<hbm>> -> memref<64x8x128xi32, #tpu.memory_space<hbm>>
      tpu.wait_dma2 semaphore(%run_scoped3A : memref<!tpu.dma_semaphore, #tpu.memory_space<semaphore_mem>>) src(%arg8 : memref<64x8x128xi32, #tpu.memory_space<vmem>>) dst(%dma_wait3A_36 : memref<64x8x128xi32, #tpu.memory_space<hbm>>)
      tpu.yield
    }) : () -> ()
    return
  }
}

module attributes {stable_mosaic.version = 14 : i64} {
  func.func @_route_kernel(%arg0: i32, %arg1: i32, %arg2: memref<256x2048xbf16, #tpu.memory_space<vmem>>, %arg3: memref<8x2048xbf16, #tpu.memory_space<vmem>>, %arg4: memref<512x8xi32, #tpu.memory_space<vmem>>, %arg5: memref<1x256x2xf32, #tpu.memory_space<vmem>>, %arg6: memref<24x8xi32, #tpu.memory_space<vmem>>, %arg7: memref<24x8xi32, #tpu.memory_space<vmem>>, %arg8: memref<1x8xf32, #tpu.memory_space<vmem>>, %arg9: memref<1x8xf32, #tpu.memory_space<vmem>>, %arg10: memref<8x512x8xf32, #tpu.memory_space<vmem>>, %arg11: memref<8x256x2xf32, #tpu.memory_space<vmem>>) attributes {dimension_semantics = [#tpu.dimension_semantics<arbitrary>, #tpu.dimension_semantics<arbitrary>], iteration_bounds = array<i64: 2, 8>, scalar_prefetch = 0 : i64, scratch_operands = 4 : i64, tpu.core_type = #tpu.core_type<tc>, window_params = [{transform_indices = @transform_0, window_bounds = array<i64: 256, 2048>}, {pipeline_mode = #tpu.pipeline_mode<synchronous>, transform_indices = @transform_1, window_bounds = array<i64: 8, 2048>}, {transform_indices = @transform_2, window_bounds = array<i64: 512, 8>}, {transform_indices = @transform_3, window_bounds = array<i64: 1, 256, 2>}, {pipeline_mode = #tpu.pipeline_mode<synchronous>, transform_indices = @transform_4, window_bounds = array<i64: 24, 8>}, {pipeline_mode = #tpu.pipeline_mode<synchronous>, transform_indices = @transform_5, window_bounds = array<i64: 24, 8>}]} {
    %eq3A = arith.constant 0 : i32
    %eq3A_0 = arith.cmpi eq, %arg0, %eq3A : i32
    %convert_element_type3A = arith.extui %eq3A_0 : i1 to i32
    %cond3A = arith.constant 0 : i32
    %cond3A_1 = arith.cmpi ne, %convert_element_type3A, %cond3A : i32
    scf.if %cond3A_1 {
      %get3A_59 = arith.constant 0 : index
      %get3A_60 = arith.constant 0 : index
      %get3A_61 = vector.load %arg2[%get3A_59, %get3A_60] : memref<256x2048xbf16, #tpu.memory_space<vmem>>, vector<256x2048xbf16>
      %get3A_62 = arith.constant 0 : index
      %get3A_63 = arith.constant 0 : index
      %get3A_64 = vector.load %arg3[%get3A_62, %get3A_63] : memref<8x2048xbf16, #tpu.memory_space<vmem>>, vector<8x2048xbf16>
      %dot_general3A_65 = arith.constant dense<0.000000e+00> : vector<256x8xf32>
      %dot_general3A_66 = tpu.matmul %get3A_61, %get3A_64, %dot_general3A_65 {dimension_numbers = #tpu.dot_dimension_numbers<[1], [1], [0], [0], [0, 0, 1, 0], [], []>, transpose_lhs_hint = false} : vector<256x2048xbf16>, vector<8x2048xbf16>, vector<256x8xf32> -> vector<256x8xf32>
      %convert_element_type3A_67 = arith.truncf %dot_general3A_66 : vector<256x8xf32> to vector<256x8xbf16>
      %convert_element_type3A_68 = arith.extf %convert_element_type3A_67 : vector<256x8xbf16> to vector<256x8xf32>
      %reduce_max3A = arith.constant dense<0xFF800000> : vector<256xf32>
      %reduce_max3A_69 = vector.multi_reduction <maximumf>, %convert_element_type3A_68, %reduce_max3A [1] : vector<256x8xf32> to vector<256xf32>
      %broadcast_in_dim3A_70 = vector.shape_cast %reduce_max3A_69 : vector<256xf32> to vector<256x1xf32>
      %sub3A = vector.broadcast %broadcast_in_dim3A_70 : vector<256x1xf32> to vector<256x8xf32>
      %sub3A_71 = arith.subf %convert_element_type3A_68, %sub3A : vector<256x8xf32>
      %exp3A = math.exp %sub3A_71 : vector<256x8xf32>
      %reduce_sum3A_72 = arith.constant dense<0.000000e+00> : vector<256xf32>
      %reduce_sum3A_73 = vector.multi_reduction <add>, %exp3A, %reduce_sum3A_72 [1] : vector<256x8xf32> to vector<256xf32>
      %broadcast_in_dim3A_74 = vector.shape_cast %reduce_sum3A_73 : vector<256xf32> to vector<256x1xf32>
      %div3A = vector.broadcast %broadcast_in_dim3A_74 : vector<256x1xf32> to vector<256x8xf32>
      %div3A_75 = arith.divf %exp3A, %div3A : vector<256x8xf32>
      %iota3A_76 = tpu.iota {dimensions = array<i32: 1>} : vector<256x8xi32>
      %reduce_max3A_77 = arith.constant dense<0xFF800000> : vector<256xf32>
      %reduce_max3A_78 = vector.multi_reduction <maximumf>, %div3A_75, %reduce_max3A_77 [1] : vector<256x8xf32> to vector<256xf32>
      %broadcast_in_dim3A_79 = vector.shape_cast %reduce_max3A_78 : vector<256xf32> to vector<256x1xf32>
      %eq3A_80 = vector.broadcast %broadcast_in_dim3A_79 : vector<256x1xf32> to vector<256x8xf32>
      %eq3A_81 = arith.cmpf oeq, %div3A_75, %eq3A_80 : vector<256x8xf32>
      %jit3A_82 = arith.constant 8 : i32
      %broadcast_in_dim3A_83 = vector.broadcast %jit3A_82 : i32 to vector<256x8xi32>
      %select_n3A_84 = arith.select %eq3A_81, %iota3A_76, %broadcast_in_dim3A_83 : vector<256x8xi1>, vector<256x8xi32>
      %reduce_min3A = arith.constant dense<2147483647> : vector<256xi32>
      %reduce_min3A_85 = vector.multi_reduction <minsi>, %select_n3A_84, %reduce_min3A [1] : vector<256x8xi32> to vector<256xi32>
      %broadcast_in_dim3A_86 = vector.shape_cast %reduce_min3A_85 : vector<256xi32> to vector<256x1xi32>
      %eq3A_87 = vector.broadcast %broadcast_in_dim3A_86 : vector<256x1xi32> to vector<256x8xi32>
      %eq3A_88 = arith.cmpi eq, %iota3A_76, %eq3A_87 : vector<256x8xi32>
      %jit3A_89 = arith.constant -1.000000e+00 : f32
      %broadcast_in_dim3A_90 = vector.broadcast %jit3A_89 : f32 to vector<256x8xf32>
      %select_n3A_91 = arith.select %eq3A_88, %broadcast_in_dim3A_90, %div3A_75 : vector<256x8xi1>, vector<256x8xf32>
      %reduce_max3A_92 = arith.constant dense<0xFF800000> : vector<256xf32>
      %reduce_max3A_93 = vector.multi_reduction <maximumf>, %select_n3A_91, %reduce_max3A_92 [1] : vector<256x8xf32> to vector<256xf32>
      %broadcast_in_dim3A_94 = vector.shape_cast %reduce_max3A_93 : vector<256xf32> to vector<256x1xf32>
      %eq3A_95 = vector.broadcast %broadcast_in_dim3A_94 : vector<256x1xf32> to vector<256x8xf32>
      %eq3A_96 = arith.cmpf oeq, %select_n3A_91, %eq3A_95 : vector<256x8xf32>
      %jit3A_97 = arith.constant 8 : i32
      %broadcast_in_dim3A_98 = vector.broadcast %jit3A_97 : i32 to vector<256x8xi32>
      %select_n3A_99 = arith.select %eq3A_96, %iota3A_76, %broadcast_in_dim3A_98 : vector<256x8xi1>, vector<256x8xi32>
      %reduce_min3A_100 = arith.constant dense<2147483647> : vector<256xi32>
      %reduce_min3A_101 = vector.multi_reduction <minsi>, %select_n3A_99, %reduce_min3A_100 [1] : vector<256x8xi32> to vector<256xi32>
      %broadcast_in_dim3A_102 = vector.shape_cast %reduce_min3A_101 : vector<256xi32> to vector<256x1xi32>
      %add3A_103 = arith.addf %broadcast_in_dim3A_79, %broadcast_in_dim3A_94 : vector<256x1xf32>
      %div3A_104 = arith.divf %broadcast_in_dim3A_79, %add3A_103 : vector<256x1xf32>
      %convert_element_type3A_105 = arith.truncf %div3A_104 : vector<256x1xf32> to vector<256x1xbf16>
      %convert_element_type3A_106 = arith.extf %convert_element_type3A_105 : vector<256x1xbf16> to vector<256x1xf32>
      %div3A_107 = arith.divf %broadcast_in_dim3A_94, %add3A_103 : vector<256x1xf32>
      %convert_element_type3A_108 = arith.truncf %div3A_107 : vector<256x1xf32> to vector<256x1xbf16>
      %convert_element_type3A_109 = arith.extf %convert_element_type3A_108 : vector<256x1xbf16> to vector<256x1xf32>
      %eq3A_110 = vector.broadcast %broadcast_in_dim3A_86 : vector<256x1xi32> to vector<256x8xi32>
      %eq3A_111 = arith.cmpi eq, %iota3A_76, %eq3A_110 : vector<256x8xi32>
      %jit3A_112 = arith.constant 1.000000e+00 : f32
      %jit3A_113 = arith.constant 0.000000e+00 : f32
      %broadcast_in_dim3A_114 = vector.broadcast %jit3A_112 : f32 to vector<256x8xf32>
      %broadcast_in_dim3A_115 = vector.broadcast %jit3A_113 : f32 to vector<256x8xf32>
      %select_n3A_116 = arith.select %eq3A_111, %broadcast_in_dim3A_114, %broadcast_in_dim3A_115 : vector<256x8xi1>, vector<256x8xf32>
      %eq3A_117 = vector.broadcast %broadcast_in_dim3A_102 : vector<256x1xi32> to vector<256x8xi32>
      %eq3A_118 = arith.cmpi eq, %iota3A_76, %eq3A_117 : vector<256x8xi32>
      %jit3A_119 = arith.constant 1.000000e+00 : f32
      %jit3A_120 = arith.constant 0.000000e+00 : f32
      %broadcast_in_dim3A_121 = vector.broadcast %jit3A_119 : f32 to vector<256x8xf32>
      %broadcast_in_dim3A_122 = vector.broadcast %jit3A_120 : f32 to vector<256x8xf32>
      %select_n3A_123 = arith.select %eq3A_118, %broadcast_in_dim3A_121, %broadcast_in_dim3A_122 : vector<256x8xi1>, vector<256x8xf32>
      %concatenate3A = tpu.concatenate %select_n3A_116, %select_n3A_123 in 0 : vector<256x8xf32>, vector<256x8xf32> -> vector<512x8xf32>
      %swap3A_124 = arith.index_cast %arg1 : i32 to index
      %swap3A_125 = arith.constant 0 : index
      %swap3A_126 = arith.constant 0 : index
      %swap3A_127 = vector.load %arg10[%swap3A_124, %swap3A_125, %swap3A_126] : memref<8x512x8xf32, #tpu.memory_space<vmem>>, vector<1x512x8xf32>
      %swap3A_128 = vector.shape_cast %swap3A_127 : vector<1x512x8xf32> to vector<512x8xf32>
      %swap3A_129 = vector.shape_cast %concatenate3A : vector<512x8xf32> to vector<1x512x8xf32>
      tpu.vector_store %arg10[%swap3A_124, %swap3A_125, %swap3A_126], %swap3A_129 {strides = array<i32>} : memref<8x512x8xf32, #tpu.memory_space<vmem>>, vector<1x512x8xf32>,
      %concatenate3A_130 = tpu.concatenate %convert_element_type3A_106, %convert_element_type3A_109 in 1 : vector<256x1xf32>, vector<256x1xf32> -> vector<256x2xf32>
      %swap3A_131 = arith.index_cast %arg1 : i32 to index
      %swap3A_132 = arith.constant 0 : index
      %swap3A_133 = arith.constant 0 : index
      %swap3A_134 = vector.load %arg11[%swap3A_131, %swap3A_132, %swap3A_133] : memref<8x256x2xf32, #tpu.memory_space<vmem>>, vector<1x256x2xf32>
      %swap3A_135 = vector.shape_cast %swap3A_134 : vector<1x256x2xf32> to vector<256x2xf32>
      %swap3A_136 = vector.shape_cast %concatenate3A_130 : vector<256x2xf32> to vector<1x256x2xf32>
      tpu.vector_store %arg11[%swap3A_131, %swap3A_132, %swap3A_133], %swap3A_136 {strides = array<i32>} : memref<8x256x2xf32, #tpu.memory_space<vmem>>, vector<1x256x2xf32>,
    } else {
    }
    %get3A = arith.index_cast %arg1 : i32 to index
    %get3A_2 = arith.constant 0 : index
    %get3A_3 = arith.constant 0 : index
    %get3A_4 = vector.load %arg10[%get3A, %get3A_2, %get3A_3] : memref<8x512x8xf32, #tpu.memory_space<vmem>>, vector<1x512x8xf32>
    %get3A_5 = vector.shape_cast %get3A_4 : vector<1x512x8xf32> to vector<512x8xf32>
    %eq3A_6 = arith.constant 0 : i32
    %eq3A_7 = arith.cmpi eq, %arg1, %eq3A_6 : i32
    %convert_element_type3A_8 = arith.extui %eq3A_7 : i1 to i32
    %cond3A_9 = arith.constant 0 : i32
    %cond3A_10 = arith.cmpi ne, %convert_element_type3A_8, %cond3A_9 : i32
    scf.if %cond3A_10 {
      %eq3A_59 = arith.constant 0 : i32
      %eq3A_60 = arith.cmpi eq, %arg0, %eq3A_59 : i32
      %convert_element_type3A_61 = arith.extui %eq3A_60 : i1 to i32
      %cond3A_62 = arith.constant 0 : i32
      %cond3A_63 = arith.cmpi ne, %convert_element_type3A_61, %cond3A_62 : i32
      scf.if %cond3A_63 {
        %broadcast_in_dim3A_74 = arith.constant 0.000000e+00 : f32
        %broadcast_in_dim3A_75 = vector.broadcast %broadcast_in_dim3A_74 : f32 to vector<1x8xf32>
        %swap3A_76 = arith.constant 0 : index
        %swap3A_77 = arith.constant 0 : index
        %swap3A_78 = vector.load %arg9[%swap3A_76, %swap3A_77] : memref<1x8xf32, #tpu.memory_space<vmem>>, vector<1x8xf32>
        tpu.vector_store %arg9[%swap3A_76, %swap3A_77], %broadcast_in_dim3A_75 {strides = array<i32>} : memref<1x8xf32, #tpu.memory_space<vmem>>, vector<1x8xf32>,
      } else {
      }
      %eq3A_64 = arith.constant 1 : i32
      %eq3A_65 = arith.cmpi eq, %arg0, %eq3A_64 : i32
      %convert_element_type3A_66 = arith.extui %eq3A_65 : i1 to i32
      %cond3A_67 = arith.constant 0 : i32
      %cond3A_68 = arith.cmpi ne, %convert_element_type3A_66, %cond3A_67 : i32
      scf.if %cond3A_68 {
        %get3A_74 = arith.constant 0 : index
        %get3A_75 = arith.constant 0 : index
        %get3A_76 = vector.load %arg8[%get3A_74, %get3A_75] : memref<1x8xf32, #tpu.memory_space<vmem>>, vector<1x8xf32>
        %div3A = arith.constant 2.560000e+02 : f32
        %div3A_77 = vector.broadcast %div3A : f32 to vector<1x8xf32>
        %div3A_78 = arith.divf %get3A_76, %div3A_77 : vector<1x8xf32>
        %ceil3A = math.ceil %div3A_78 : vector<1x8xf32>
        %mul3A_79 = arith.constant 2.560000e+02 : f32
        %mul3A_80 = vector.broadcast %mul3A_79 : f32 to vector<1x8xf32>
        %mul3A_81 = arith.mulf %ceil3A, %mul3A_80 : vector<1x8xf32>
        %iota3A_82 = tpu.iota {dimensions = array<i32: 0>} : vector<8x8xi32>
        %iota3A_83 = tpu.iota {dimensions = array<i32: 1>} : vector<8x8xi32>
        %lt3A = arith.cmpi slt, %iota3A_82, %iota3A_83 : vector<8x8xi32>
        %jit3A_84 = arith.constant 1.000000e+00 : f32
        %jit3A_85 = arith.constant 0.000000e+00 : f32
        %broadcast_in_dim3A_86 = vector.broadcast %jit3A_84 : f32 to vector<8x8xf32>
        %broadcast_in_dim3A_87 = vector.broadcast %jit3A_85 : f32 to vector<8x8xf32>
        %select_n3A_88 = arith.select %lt3A, %broadcast_in_dim3A_86, %broadcast_in_dim3A_87 : vector<8x8xi1>, vector<8x8xf32>
        %dot_general3A_89 = arith.constant dense<0.000000e+00> : vector<1x8xf32>
        %dot_general3A_90 = tpu.matmul %mul3A_81, %select_n3A_88, %dot_general3A_89 {dimension_numbers = #tpu.dot_dimension_numbers<[1], [0], [0], [1], [0, 0, 1, 1], [], []>, transpose_lhs_hint = false} : vector<1x8xf32>, vector<8x8xf32>, vector<1x8xf32> -> vector<1x8xf32>
        %swap3A_91 = arith.constant 0 : index
        %swap3A_92 = arith.constant 0 : index
        %swap3A_93 = vector.load %arg9[%swap3A_91, %swap3A_92] : memref<1x8xf32, #tpu.memory_space<vmem>>, vector<1x8xf32>
        tpu.vector_store %arg9[%swap3A_91, %swap3A_92], %dot_general3A_90 {strides = array<i32>} : memref<1x8xf32, #tpu.memory_space<vmem>>, vector<1x8xf32>,
      } else {
      }
      %broadcast_in_dim3A_69 = arith.constant 0.000000e+00 : f32
      %broadcast_in_dim3A_70 = vector.broadcast %broadcast_in_dim3A_69 : f32 to vector<1x8xf32>
      %swap3A_71 = arith.constant 0 : index
      %swap3A_72 = arith.constant 0 : index
      %swap3A_73 = vector.load %arg8[%swap3A_71, %swap3A_72] : memref<1x8xf32, #tpu.memory_space<vmem>>, vector<1x8xf32>
      tpu.vector_store %arg8[%swap3A_71, %swap3A_72], %broadcast_in_dim3A_70 {strides = array<i32>} : memref<1x8xf32, #tpu.memory_space<vmem>>, vector<1x8xf32>,
    } else {
    }
    %iota3A = tpu.iota {dimensions = array<i32: 0>} : vector<512x512xi32>
    %iota3A_11 = tpu.iota {dimensions = array<i32: 1>} : vector<512x512xi32>
    %gt3A = arith.cmpi sgt, %iota3A, %iota3A_11 : vector<512x512xi32>
    %jit3A = arith.constant 1.000000e+00 : f32
    %jit3A_12 = arith.constant 0.000000e+00 : f32
    %broadcast_in_dim3A = vector.broadcast %jit3A : f32 to vector<512x512xf32>
    %broadcast_in_dim3A_13 = vector.broadcast %jit3A_12 : f32 to vector<512x512xf32>
    %select_n3A = arith.select %gt3A, %broadcast_in_dim3A, %broadcast_in_dim3A_13 : vector<512x512xi1>, vector<512x512xf32>
    %dot_general3A = arith.constant dense<0.000000e+00> : vector<512x8xf32>
    %dot_general3A_14 = tpu.matmul %select_n3A, %get3A_5, %dot_general3A {dimension_numbers = #tpu.dot_dimension_numbers<[1], [0], [0], [1], [0, 0, 1, 1], [], []>, transpose_lhs_hint = false} : vector<512x512xf32>, vector<512x8xf32>, vector<512x8xf32> -> vector<512x8xf32>
    %get3A_15 = arith.constant 0 : index
    %get3A_16 = arith.constant 0 : index
    %get3A_17 = vector.load %arg8[%get3A_15, %get3A_16] : memref<1x8xf32, #tpu.memory_space<vmem>>, vector<1x8xf32>
    %add3A = vector.broadcast %get3A_17 : vector<1x8xf32> to vector<512x8xf32>
    %add3A_18 = arith.addf %dot_general3A_14, %add3A : vector<512x8xf32>
    %get3A_19 = arith.constant 0 : index
    %get3A_20 = arith.constant 0 : index
    %get3A_21 = vector.load %arg8[%get3A_19, %get3A_20] : memref<1x8xf32, #tpu.memory_space<vmem>>, vector<1x8xf32>
    %reduce_sum3A = arith.constant dense<0.000000e+00> : vector<8xf32>
    %reduce_sum3A_22 = vector.multi_reduction <add>, %get3A_5, %reduce_sum3A [0] : vector<512x8xf32> to vector<8xf32>
    %broadcast_in_dim3A_23 = vector.shape_cast %reduce_sum3A_22 : vector<8xf32> to vector<1x8xf32>
    %add3A_24 = arith.addf %get3A_21, %broadcast_in_dim3A_23 : vector<1x8xf32>
    %swap3A = arith.constant 0 : index
    %swap3A_25 = arith.constant 0 : index
    %swap3A_26 = vector.load %arg8[%swap3A, %swap3A_25] : memref<1x8xf32, #tpu.memory_space<vmem>>, vector<1x8xf32>
    tpu.vector_store %arg8[%swap3A, %swap3A_25], %add3A_24 {strides = array<i32>} : memref<1x8xf32, #tpu.memory_space<vmem>>, vector<1x8xf32>,
    %get3A_27 = arith.constant 0 : index
    %get3A_28 = arith.constant 0 : index
    %get3A_29 = vector.load %arg9[%get3A_27, %get3A_28] : memref<1x8xf32, #tpu.memory_space<vmem>>, vector<1x8xf32>
    %add3A_30 = vector.broadcast %get3A_29 : vector<1x8xf32> to vector<512x8xf32>
    %add3A_31 = arith.addf %add3A_18, %add3A_30 : vector<512x8xf32>
    %mul3A = arith.mulf %get3A_5, %add3A_31 : vector<512x8xf32>
    %reduce_sum3A_32 = arith.constant dense<0.000000e+00> : vector<512xf32>
    %reduce_sum3A_33 = vector.multi_reduction <add>, %mul3A, %reduce_sum3A_32 [1] : vector<512x8xf32> to vector<512xf32>
    %broadcast_in_dim3A_34 = vector.shape_cast %reduce_sum3A_33 : vector<512xf32> to vector<512x1xf32>
    %convert_element_type3A_35 = arith.fptosi %broadcast_in_dim3A_34 : vector<512x1xf32> to vector<512x1xi32>
    %broadcast_in_dim3A_36 = vector.shape_cast %convert_element_type3A_35 : vector<512x1xi32> to vector<512x1xi32>
    %broadcast_in_dim3A_37 = vector.broadcast %broadcast_in_dim3A_36 : vector<512x1xi32> to vector<512x8xi32>
    %swap3A_38 = arith.constant 0 : index
    %swap3A_39 = arith.constant 0 : index
    %swap3A_40 = vector.load %arg4[%swap3A_38, %swap3A_39] : memref<512x8xi32, #tpu.memory_space<vmem>>, vector<512x8xi32>
    tpu.vector_store %arg4[%swap3A_38, %swap3A_39], %broadcast_in_dim3A_37 {strides = array<i32>} : memref<512x8xi32, #tpu.memory_space<vmem>>, vector<512x8xi32>,
    %get3A_41 = arith.index_cast %arg1 : i32 to index
    %get3A_42 = arith.constant 0 : index
    %get3A_43 = arith.constant 0 : index
    %get3A_44 = vector.load %arg11[%get3A_41, %get3A_42, %get3A_43] : memref<8x256x2xf32, #tpu.memory_space<vmem>>, vector<1x256x2xf32>
    %get3A_45 = vector.shape_cast %get3A_44 : vector<1x256x2xf32> to vector<256x2xf32>
    %swap3A_46 = arith.constant 0 : index
    %swap3A_47 = arith.constant 0 : index
    %swap3A_48 = arith.constant 0 : index
    %swap3A_49 = vector.load %arg5[%swap3A_46, %swap3A_47, %swap3A_48] : memref<1x256x2xf32, #tpu.memory_space<vmem>>, vector<1x256x2xf32>
    %swap3A_50 = vector.shape_cast %swap3A_49 : vector<1x256x2xf32> to vector<256x2xf32>
    %swap3A_51 = vector.shape_cast %get3A_45 : vector<256x2xf32> to vector<1x256x2xf32>
    tpu.vector_store %arg5[%swap3A_46, %swap3A_47, %swap3A_48], %swap3A_51 {strides = array<i32>} : memref<1x256x2xf32, #tpu.memory_space<vmem>>, vector<1x256x2xf32>,
    %eq3A_52 = arith.constant 1 : i32
    %eq3A_53 = arith.cmpi eq, %arg0, %eq3A_52 : i32
    %eq3A_54 = arith.constant 7 : i32
    %eq3A_55 = arith.cmpi eq, %arg1, %eq3A_54 : i32
    %and3A = arith.andi %eq3A_53, %eq3A_55 : i1
    %convert_element_type3A_56 = arith.extui %and3A : i1 to i32
    %cond3A_57 = arith.constant 0 : i32
    %cond3A_58 = arith.cmpi ne, %convert_element_type3A_56, %cond3A_57 : i32
    scf.if %cond3A_58 {
      %iota3A_59 = tpu.iota {dimensions = array<i32: 0>} : vector<24x8xi32>
      %mul3A_60 = arith.constant 256 : i32
      %mul3A_61 = vector.broadcast %mul3A_60 : i32 to vector<24x8xi32>
      %mul3A_62 = arith.muli %iota3A_59, %mul3A_61 : vector<24x8xi32>
      %convert_element_type3A_63 = arith.sitofp %mul3A_62 : vector<24x8xi32> to vector<24x8xf32>
      %get3A_64 = arith.constant 0 : index
      %get3A_65 = arith.constant 0 : index
      %get3A_66 = vector.load %arg9[%get3A_64, %get3A_65] : memref<1x8xf32, #tpu.memory_space<vmem>>, vector<1x8xf32>
      %le3A = vector.broadcast %get3A_66 : vector<1x8xf32> to vector<24x8xf32>
      %le3A_67 = arith.cmpf ole, %le3A, %convert_element_type3A_63 : vector<24x8xf32>
      %jit3A_68 = arith.constant 1 : i32
      %jit3A_69 = arith.constant 0 : i32
      %broadcast_in_dim3A_70 = vector.broadcast %jit3A_68 : i32 to vector<24x8xi32>
      %broadcast_in_dim3A_71 = vector.broadcast %jit3A_69 : i32 to vector<24x8xi32>
      %select_n3A_72 = arith.select %le3A_67, %broadcast_in_dim3A_70, %broadcast_in_dim3A_71 : vector<24x8xi1>, vector<24x8xi32>
      %reduce_sum3A_73 = arith.constant dense<0> : vector<24xi32>
      %reduce_sum3A_74 = vector.multi_reduction <add>, %select_n3A_72, %reduce_sum3A_73 [1] : vector<24x8xi32> to vector<24xi32>
      %broadcast_in_dim3A_75 = vector.shape_cast %reduce_sum3A_74 : vector<24xi32> to vector<24x1xi32>
      %sub3A = arith.constant 1 : i32
      %sub3A_76 = vector.broadcast %sub3A : i32 to vector<24x1xi32>
      %sub3A_77 = arith.subi %broadcast_in_dim3A_75, %sub3A_76 : vector<24x1xi32>
      %broadcast_in_dim3A_78 = vector.shape_cast %sub3A_77 : vector<24x1xi32> to vector<24x1xi32>
      %broadcast_in_dim3A_79 = vector.broadcast %broadcast_in_dim3A_78 : vector<24x1xi32> to vector<24x8xi32>
      %swap3A_80 = arith.constant 0 : index
      %swap3A_81 = arith.constant 0 : index
      %swap3A_82 = vector.load %arg6[%swap3A_80, %swap3A_81] : memref<24x8xi32, #tpu.memory_space<vmem>>, vector<24x8xi32>
      tpu.vector_store %arg6[%swap3A_80, %swap3A_81], %broadcast_in_dim3A_79 {strides = array<i32>} : memref<24x8xi32, #tpu.memory_space<vmem>>, vector<24x8xi32>,
      %get3A_83 = arith.constant 0 : index
      %get3A_84 = arith.constant 0 : index
      %get3A_85 = vector.load %arg8[%get3A_83, %get3A_84] : memref<1x8xf32, #tpu.memory_space<vmem>>, vector<1x8xf32>
      %get3A_86 = arith.constant 0 : index
      %get3A_87 = arith.constant 0 : index
      %get3A_88 = vector.load %arg9[%get3A_86, %get3A_87] : memref<1x8xf32, #tpu.memory_space<vmem>>, vector<1x8xf32>
      %ge3A = vector.broadcast %get3A_88 : vector<1x8xf32> to vector<24x8xf32>
      %ge3A_89 = arith.cmpf oge, %convert_element_type3A_63, %ge3A : vector<24x8xf32>
      %get3A_90 = arith.constant 0 : index
      %get3A_91 = arith.constant 0 : index
      %get3A_92 = vector.load %arg9[%get3A_90, %get3A_91] : memref<1x8xf32, #tpu.memory_space<vmem>>, vector<1x8xf32>
      %add3A_93 = arith.addf %get3A_92, %get3A_85 : vector<1x8xf32>
      %lt3A = vector.broadcast %add3A_93 : vector<1x8xf32> to vector<24x8xf32>
      %lt3A_94 = arith.cmpf olt, %convert_element_type3A_63, %lt3A : vector<24x8xf32>
      %and3A_95 = arith.andi %ge3A_89, %lt3A_94 : vector<24x8xi1>
      %jit3A_96 = arith.constant 1 : i32
      %jit3A_97 = arith.constant 0 : i32
      %broadcast_in_dim3A_98 = vector.broadcast %jit3A_96 : i32 to vector<24x8xi32>
      %broadcast_in_dim3A_99 = vector.broadcast %jit3A_97 : i32 to vector<24x8xi32>
      %select_n3A_100 = arith.select %and3A_95, %broadcast_in_dim3A_98, %broadcast_in_dim3A_99 : vector<24x8xi1>, vector<24x8xi32>
      %reduce_sum3A_101 = arith.constant dense<0> : vector<24xi32>
      %reduce_sum3A_102 = vector.multi_reduction <add>, %select_n3A_100, %reduce_sum3A_101 [1] : vector<24x8xi32> to vector<24xi32>
      %broadcast_in_dim3A_103 = vector.shape_cast %reduce_sum3A_102 : vector<24xi32> to vector<24x1xi32>
      %broadcast_in_dim3A_104 = vector.shape_cast %broadcast_in_dim3A_103 : vector<24x1xi32> to vector<24x1xi32>
      %broadcast_in_dim3A_105 = vector.broadcast %broadcast_in_dim3A_104 : vector<24x1xi32> to vector<24x8xi32>
      %swap3A_106 = arith.constant 0 : index
      %swap3A_107 = arith.constant 0 : index
      %swap3A_108 = vector.load %arg7[%swap3A_106, %swap3A_107] : memref<24x8xi32, #tpu.memory_space<vmem>>, vector<24x8xi32>
      tpu.vector_store %arg7[%swap3A_106, %swap3A_107], %broadcast_in_dim3A_105 {strides = array<i32>} : memref<24x8xi32, #tpu.memory_space<vmem>>, vector<24x8xi32>,
    } else {
    }
    return
  }
  func.func @transform_0(%arg0: i32, %arg1: i32) -> (i32, i32) {
    %sub3A = arith.constant 1 : i32
    %sub3A_0 = arith.subi %sub3A, %arg0 : i32
    %mul3A = arith.muli %arg1, %sub3A_0 : i32
    %c0_i32 = arith.constant 0 : i32
    %c0_i32_1 = arith.constant 0 : i32
    return %mul3A, %c0_i32 : i32, i32
  }
  func.func @transform_1(%arg0: i32, %arg1: i32) -> (i32, i32) {
    %c0_i32 = arith.constant 0 : i32
    %c0_i32_0 = arith.constant 0 : i32
    %c0_i32_1 = arith.constant 0 : i32
    return %c0_i32, %c0_i32_0 : i32, i32
  }
  func.func @transform_2(%arg0: i32, %arg1: i32) -> (i32, i32) {
    %c0_i32 = arith.constant 0 : i32
    %c0_i32_0 = arith.constant 0 : i32
    return %arg1, %c0_i32 : i32, i32
  }
  func.func @transform_3(%arg0: i32, %arg1: i32) -> (i32, i32, i32) {
    %c0_i32 = arith.constant 0 : i32
    %c0_i32_0 = arith.constant 0 : i32
    %c0_i32_1 = arith.constant 0 : i32
    return %arg1, %c0_i32, %c0_i32_0 : i32, i32, i32
  }
  func.func @transform_4(%arg0: i32, %arg1: i32) -> (i32, i32) {
    %c0_i32 = arith.constant 0 : i32
    %c0_i32_0 = arith.constant 0 : i32
    %c0_i32_1 = arith.constant 0 : i32
    return %c0_i32, %c0_i32_0 : i32, i32
  }
  func.func @transform_5(%arg0: i32, %arg1: i32) -> (i32, i32) {
    %c0_i32 = arith.constant 0 : i32
    %c0_i32_0 = arith.constant 0 : i32
    %c0_i32_1 = arith.constant 0 : i32
    return %c0_i32, %c0_i32_0 : i32, i32
  }
}

module attributes {stable_mosaic.version = 14 : i64} {
  func.func @_gemm_kernel(%arg0: i32, %arg1: memref<24xi32, #tpu.memory_space<smem>>, %arg2: memref<24xi32, #tpu.memory_space<smem>>, %arg3: memref<256x16x128xbf16, #tpu.memory_space<vmem>>, %arg4: memref<1x768x2048xbf16, #tpu.memory_space<vmem>>, %arg5: memref<1x768x2048xbf16, #tpu.memory_space<vmem>>, %arg6: memref<1x2048x768xbf16, #tpu.memory_space<vmem>>, %arg7: memref<256x16x128xbf16, #tpu.memory_space<vmem>>) attributes {dimension_semantics = [#tpu.dimension_semantics<arbitrary>], iteration_bounds = array<i64: 24>, scalar_prefetch = 2 : i64, scratch_operands = 0 : i64, tpu.core_type = #tpu.core_type<tc>, window_params = [{transform_indices = @transform_0, window_bounds = array<i64: 256, 16, 128>}, {transform_indices = @transform_1, window_bounds = array<i64: 1, 768, 2048>}, {transform_indices = @transform_2, window_bounds = array<i64: 1, 768, 2048>}, {transform_indices = @transform_3, window_bounds = array<i64: 1, 2048, 768>}, {transform_indices = @transform_4, window_bounds = array<i64: 256, 16, 128>}]} {
    %get3A = arith.index_cast %arg0 : i32 to index
    %get3A_0 = memref.load %arg2[%get3A] : memref<24xi32, #tpu.memory_space<smem>>
    %ne3A = arith.constant 0 : i32
    %ne3A_1 = arith.cmpi ne, %get3A_0, %ne3A : i32
    %convert_element_type3A = arith.extui %ne3A_1 : i1 to i32
    %cond3A = arith.constant 0 : i32
    %cond3A_2 = arith.cmpi ne, %convert_element_type3A, %cond3A : i32
    scf.if %cond3A_2 {
      %get3A_3 = arith.constant 0 : index
      %get3A_4 = arith.constant 0 : index
      %get3A_5 = arith.constant 0 : index
      %get3A_6 = vector.load %arg3[%get3A_3, %get3A_4, %get3A_5] : memref<256x16x128xbf16, #tpu.memory_space<vmem>>, vector<256x16x128xbf16>
      %reshape3A = vector.shape_cast %get3A_6 : vector<256x16x128xbf16> to vector<256x2048xbf16>
      %get3A_7 = arith.constant 0 : index
      %get3A_8 = arith.constant 0 : index
      %get3A_9 = arith.constant 0 : index
      %get3A_10 = vector.load %arg4[%get3A_7, %get3A_8, %get3A_9] : memref<1x768x2048xbf16, #tpu.memory_space<vmem>>, vector<1x768x2048xbf16>
      %get3A_11 = vector.shape_cast %get3A_10 : vector<1x768x2048xbf16> to vector<768x2048xbf16>
      %dot_general3A = arith.constant dense<0.000000e+00> : vector<256x768xf32>
      %dot_general3A_12 = tpu.matmul %reshape3A, %get3A_11, %dot_general3A {dimension_numbers = #tpu.dot_dimension_numbers<[1], [1], [0], [0], [0, 0, 1, 0], [], []>, transpose_lhs_hint = false} : vector<256x2048xbf16>, vector<768x2048xbf16>, vector<256x768xf32> -> vector<256x768xf32>
      %get3A_13 = arith.constant 0 : index
      %get3A_14 = arith.constant 0 : index
      %get3A_15 = arith.constant 0 : index
      %get3A_16 = vector.load %arg5[%get3A_13, %get3A_14, %get3A_15] : memref<1x768x2048xbf16, #tpu.memory_space<vmem>>, vector<1x768x2048xbf16>
      %get3A_17 = vector.shape_cast %get3A_16 : vector<1x768x2048xbf16> to vector<768x2048xbf16>
      %dot_general3A_18 = arith.constant dense<0.000000e+00> : vector<256x768xf32>
      %dot_general3A_19 = tpu.matmul %reshape3A, %get3A_17, %dot_general3A_18 {dimension_numbers = #tpu.dot_dimension_numbers<[1], [1], [0], [0], [0, 0, 1, 0], [], []>, transpose_lhs_hint = false} : vector<256x2048xbf16>, vector<768x2048xbf16>, vector<256x768xf32> -> vector<256x768xf32>
      %convert_element_type3A_20 = arith.truncf %dot_general3A_12 : vector<256x768xf32> to vector<256x768xbf16>
      %convert_element_type3A_21 = arith.truncf %dot_general3A_19 : vector<256x768xf32> to vector<256x768xbf16>
      %convert_element_type3A_22 = arith.extf %convert_element_type3A_20 : vector<256x768xbf16> to vector<256x768xf32>
      %neg3A = arith.constant 0.000000e+00 : f32
      %neg3A_23 = vector.broadcast %neg3A : f32 to vector<256x768xf32>
      %neg3A_24 = arith.subf %neg3A_23, %convert_element_type3A_22 : vector<256x768xf32>
      %exp3A = math.exp %neg3A_24 : vector<256x768xf32>
      %add3A = arith.constant 1.000000e+00 : f32
      %add3A_25 = vector.broadcast %add3A : f32 to vector<256x768xf32>
      %add3A_26 = arith.addf %add3A_25, %exp3A : vector<256x768xf32>
      %div3A = arith.constant 1.000000e+00 : f32
      %div3A_27 = vector.broadcast %div3A : f32 to vector<256x768xf32>
      %div3A_28 = arith.divf %div3A_27, %add3A_26 : vector<256x768xf32>
      %convert_element_type3A_29 = arith.extf %convert_element_type3A_20 : vector<256x768xbf16> to vector<256x768xf32>
      %mul3A = arith.mulf %convert_element_type3A_29, %div3A_28 : vector<256x768xf32>
      %convert_element_type3A_30 = arith.truncf %mul3A : vector<256x768xf32> to vector<256x768xbf16>
      %mul3A_31 = arith.mulf %convert_element_type3A_30, %convert_element_type3A_21 : vector<256x768xbf16>
      %get3A_32 = arith.constant 0 : index
      %get3A_33 = arith.constant 0 : index
      %get3A_34 = arith.constant 0 : index
      %get3A_35 = vector.load %arg6[%get3A_32, %get3A_33, %get3A_34] : memref<1x2048x768xbf16, #tpu.memory_space<vmem>>, vector<1x2048x768xbf16>
      %get3A_36 = vector.shape_cast %get3A_35 : vector<1x2048x768xbf16> to vector<2048x768xbf16>
      %dot_general3A_37 = arith.constant dense<0.000000e+00> : vector<256x2048xf32>
      %dot_general3A_38 = tpu.matmul %mul3A_31, %get3A_36, %dot_general3A_37 {dimension_numbers = #tpu.dot_dimension_numbers<[1], [1], [0], [0], [0, 0, 1, 0], [], []>, transpose_lhs_hint = false} : vector<256x768xbf16>, vector<2048x768xbf16>, vector<256x2048xf32> -> vector<256x2048xf32>
      %convert_element_type3A_39 = arith.truncf %dot_general3A_38 : vector<256x2048xf32> to vector<256x2048xbf16>
      %reshape3A_40 = vector.shape_cast %convert_element_type3A_39 : vector<256x2048xbf16> to vector<256x16x128xbf16>
      %swap3A = arith.constant 0 : index
      %swap3A_41 = arith.constant 0 : index
      %swap3A_42 = arith.constant 0 : index
      %swap3A_43 = vector.load %arg7[%swap3A, %swap3A_41, %swap3A_42] : memref<256x16x128xbf16, #tpu.memory_space<vmem>>, vector<256x16x128xbf16>
      tpu.vector_store %arg7[%swap3A, %swap3A_41, %swap3A_42], %reshape3A_40 {strides = array<i32>} : memref<256x16x128xbf16, #tpu.memory_space<vmem>>, vector<256x16x128xbf16>,
    } else {
    }
    return
  }
  func.func @transform_0(%arg0: i32, %arg1: memref<24xi32, #tpu.memory_space<smem>>, %arg2: memref<24xi32, #tpu.memory_space<smem>>) -> (i32, i32, i32) {
    %c0_i32 = arith.constant 0 : i32
    %c0_i32_0 = arith.constant 0 : i32
    %c0_i32_1 = arith.constant 0 : i32
    return %arg0, %c0_i32, %c0_i32_0 : i32, i32, i32
  }
  func.func @transform_1(%arg0: i32, %arg1: memref<24xi32, #tpu.memory_space<smem>>, %arg2: memref<24xi32, #tpu.memory_space<smem>>) -> (i32, i32, i32) {
    %get3A = arith.index_cast %arg0 : i32 to index
    %get3A_0 = memref.load %arg1[%get3A] : memref<24xi32, #tpu.memory_space<smem>>
    %c0_i32 = arith.constant 0 : i32
    %c0_i32_1 = arith.constant 0 : i32
    %c0_i32_2 = arith.constant 0 : i32
    return %get3A_0, %c0_i32, %c0_i32_1 : i32, i32, i32
  }
  func.func @transform_2(%arg0: i32, %arg1: memref<24xi32, #tpu.memory_space<smem>>, %arg2: memref<24xi32, #tpu.memory_space<smem>>) -> (i32, i32, i32) {
    %get3A = arith.index_cast %arg0 : i32 to index
    %get3A_0 = memref.load %arg1[%get3A] : memref<24xi32, #tpu.memory_space<smem>>
    %c0_i32 = arith.constant 0 : i32
    %c0_i32_1 = arith.constant 0 : i32
    %c0_i32_2 = arith.constant 0 : i32
    return %get3A_0, %c0_i32, %c0_i32_1 : i32, i32, i32
  }
  func.func @transform_3(%arg0: i32, %arg1: memref<24xi32, #tpu.memory_space<smem>>, %arg2: memref<24xi32, #tpu.memory_space<smem>>) -> (i32, i32, i32) {
    %get3A = arith.index_cast %arg0 : i32 to index
    %get3A_0 = memref.load %arg1[%get3A] : memref<24xi32, #tpu.memory_space<smem>>
    %c0_i32 = arith.constant 0 : i32
    %c0_i32_1 = arith.constant 0 : i32
    %c0_i32_2 = arith.constant 0 : i32
    return %get3A_0, %c0_i32, %c0_i32_1 : i32, i32, i32
  }
  func.func @transform_4(%arg0: i32, %arg1: memref<24xi32, #tpu.memory_space<smem>>, %arg2: memref<24xi32, #tpu.memory_space<smem>>) -> (i32, i32, i32) {
    %c0_i32 = arith.constant 0 : i32
    %c0_i32_0 = arith.constant 0 : i32
    %c0_i32_1 = arith.constant 0 : i32
    return %arg0, %c0_i32, %c0_i32_0 : i32, i32, i32
  }
}

module attributes {stable_mosaic.version = 14 : i64} {
  func.func @_combine_kernel(%arg0: i32, %arg1: memref<256x16x128xbf16, #tpu.memory_space<vmem>>, %arg2: memref<256x16x128xbf16, #tpu.memory_space<vmem>>, %arg3: memref<256x2xf32, #tpu.memory_space<vmem>>, %arg4: memref<256x2048xbf16, #tpu.memory_space<vmem>>) attributes {dimension_semantics = [#tpu.dimension_semantics<arbitrary>], iteration_bounds = array<i64: 8>, scalar_prefetch = 0 : i64, scratch_operands = 0 : i64, tpu.core_type = #tpu.core_type<tc>, window_params = [{transform_indices = @transform_0, window_bounds = array<i64: 256, 16, 128>}, {transform_indices = @transform_1, window_bounds = array<i64: 256, 16, 128>}, {transform_indices = @transform_2, window_bounds = array<i64: 256, 2>}, {transform_indices = @transform_3, window_bounds = array<i64: 256, 2048>}]} {
    %get3A = arith.constant 0 : index
    %get3A_0 = arith.constant 0 : index
    %get3A_1 = vector.load %arg3[%get3A, %get3A_0] : memref<256x2xf32, #tpu.memory_space<vmem>>, vector<256x1xf32>
    %convert_element_type3A = arith.truncf %get3A_1 : vector<256x1xf32> to vector<256x1xbf16>
    %broadcast_in_dim3A = vector.shape_cast %convert_element_type3A : vector<256x1xbf16> to vector<256x1x1xbf16>
    %get3A_2 = arith.constant 0 : index
    %get3A_3 = arith.constant 1 : index
    %get3A_4 = vector.load %arg3[%get3A_2, %get3A_3] : memref<256x2xf32, #tpu.memory_space<vmem>>, vector<256x1xf32>
    %convert_element_type3A_5 = arith.truncf %get3A_4 : vector<256x1xf32> to vector<256x1xbf16>
    %broadcast_in_dim3A_6 = vector.shape_cast %convert_element_type3A_5 : vector<256x1xbf16> to vector<256x1x1xbf16>
    %get3A_7 = arith.constant 0 : index
    %get3A_8 = arith.constant 0 : index
    %get3A_9 = arith.constant 0 : index
    %get3A_10 = vector.load %arg1[%get3A_7, %get3A_8, %get3A_9] : memref<256x16x128xbf16, #tpu.memory_space<vmem>>, vector<256x16x128xbf16>
    %mul3A = vector.broadcast %broadcast_in_dim3A : vector<256x1x1xbf16> to vector<256x16x128xbf16>
    %mul3A_11 = arith.mulf %mul3A, %get3A_10 : vector<256x16x128xbf16>
    %get3A_12 = arith.constant 0 : index
    %get3A_13 = arith.constant 0 : index
    %get3A_14 = arith.constant 0 : index
    %get3A_15 = vector.load %arg2[%get3A_12, %get3A_13, %get3A_14] : memref<256x16x128xbf16, #tpu.memory_space<vmem>>, vector<256x16x128xbf16>
    %mul3A_16 = vector.broadcast %broadcast_in_dim3A_6 : vector<256x1x1xbf16> to vector<256x16x128xbf16>
    %mul3A_17 = arith.mulf %mul3A_16, %get3A_15 : vector<256x16x128xbf16>
    %add3A = arith.addf %mul3A_11, %mul3A_17 : vector<256x16x128xbf16>
    %reshape3A = vector.shape_cast %add3A : vector<256x16x128xbf16> to vector<256x2048xbf16>
    %swap3A = arith.constant 0 : index
    %swap3A_18 = arith.constant 0 : index
    %swap3A_19 = vector.load %arg4[%swap3A, %swap3A_18] : memref<256x2048xbf16, #tpu.memory_space<vmem>>, vector<256x2048xbf16>
    tpu.vector_store %arg4[%swap3A, %swap3A_18], %reshape3A {strides = array<i32>} : memref<256x2048xbf16, #tpu.memory_space<vmem>>, vector<256x2048xbf16>,
    return
  }
  func.func @transform_0(%arg0: i32) -> (i32, i32, i32) {
    %c0_i32 = arith.constant 0 : i32
    %c0_i32_0 = arith.constant 0 : i32
    %c0_i32_1 = arith.constant 0 : i32
    return %arg0, %c0_i32, %c0_i32_0 : i32, i32, i32
  }
  func.func @transform_1(%arg0: i32) -> (i32, i32, i32) {
    %c0_i32 = arith.constant 0 : i32
    %c0_i32_0 = arith.constant 0 : i32
    %c0_i32_1 = arith.constant 0 : i32
    return %arg0, %c0_i32, %c0_i32_0 : i32, i32, i32
  }
  func.func @transform_2(%arg0: i32) -> (i32, i32) {
    %c0_i32 = arith.constant 0 : i32
    %c0_i32_0 = arith.constant 0 : i32
    return %arg0, %c0_i32 : i32, i32
  }
  func.func @transform_3(%arg0: i32) -> (i32, i32) {
    %c0_i32 = arith.constant 0 : i32
    %c0_i32_0 = arith.constant 0 : i32
    return %arg0, %c0_i32 : i32, i32
  }
}

</mosaic_0001>

<sc_bundles>
// kernel: kernel.10.cloned.1.call-start
scs
__scs_entry_jumppad:
0x0: {  	(pc) =	sbr.rel $0x88, $3  }
0x1: {  	(tag) =	ssettag $0x0;
	lr =	simm.s32 $0x1  }
0x2: {  	[smem:$0x3F9C] =	sst lr;
	_ =	strace $0xD0000000  }
0x3: {  	_ = 	snop  }
0x4: {  	_ = 	snop  }
0x5: {  	_ = 	snop  }
0x6: {  	_ = 	snop  }
0x7: {  	_ = 	snop  }
__scs_overlays_trampoline_lowered:
0x8: {  	[smem:$0x3FAB] =	sst s0  }
0x9: {  	[smem:$0x3FAC] =	sst s1  }
0xa: {  	[smem:$0x3FAD] =	sst s2  }
0xb: {  	[smem:$0x3FAE] =	sst s3  }
0xc: {  	[smem:$0x3FAF] =	sst s4  }
0xd: {  	[smem:$0x3FB0] =	sst s5  }
0xe: {  	[smem:$0x3FB1] =	sst s6  }
0xf: {  	[smem:$0x3FB2] =	sst s7  }
0x10: {  	[smem:$0x3FB3] =	sst s8  }
0x11: {  	[smem:$0x3FB4] =	sst s9;
	s0 =	simm.s32 @!p0 $0x0  }
0x12: {  	s1 =	sld [smem:$0x3F9A];
	s0 =	simm.s32 @p0 $0x1  }
0x13: {  	[smem:$0x3FB5] =	sst s0;
	s0 =	simm.s32 @!p1 $0x0  }
0x14: {  	s2 =	sld [smem:$0x3F99];
	s0 =	simm.s32 @p1 $0x1  }
0x15: {  	[smem:$0x3FB6] =	sst s0;
	s0 =	simm.s32 @!p2 $0x0  }
0x16: {  	s3 =	sld [smem:$0x3FDB];
	s0 =	simm.s32 @p2 $0x1  }
0x17: {  	s4 =	simm.s32 $0x1BF5;
	[smem:$0x3FB8] =	sst s0  }
0x18: {  	s0 =	sld [smem:$0x3F9B];
	_ =	swait.ge [sflag:s4], $0x0  }
0x19: {  	s7 =	sld [smem:$0x3F9C]  }
0x1a: {  	s8 =	sadd.s32 $0xFFFFE003, lr  }
0x1b: {  	s9 =	sadd.s32 $0xFFFFFEF7, lr;
	s5 =	simm.s32 $0xFFFFFFFF;
	p2 =	slt.u32 s8, $0xFFFFF086  }
0x1c: {  	p1 =	slt.u32 s9, $0xF7A;
	s5 =	simm.s32 @!p2 $0x0  }
0x1d: {  	s5 =	simm.s32 @p1 $0x1;
	p0 =	seq.s32 s7, s2  }
0x1e: {  	s7 =	smul.u32 @!p0 $0xF7A, s2;
	p2 =	seq.s32 @!p0 s5, $0x0  }
0x1f: {  	s9 =	smul.u32 $0xF7A, s1;
	s8 =	simm.s32 @!p0 $0x1BF5;
	p2 =	por !p2, p0  }
0x20: {  	[sflag:s8] =	ssyncset.s32 @!p0 $0xFFFFF086;
	s6 =	sadd.s32 @!p0 s3, s7;
	s7 =	simm.s32 @!p0 $0x108  }
0x21: {  	s3 =	sadd.s32 s3, s9;
	s6 =	sadd.s32 @!p0 $0x88, s6;
	s7 =	simm.s32 @p2 $0x1082  }
0x22: {  	[simem:s7], [sflag:s8] =	dma.local @!p0 [hbm:s6], $0xF7A  }
0x23: {  	s9 =	sor.u32 $0xD0000000, s2;
	s6 =	simm.s32 $0x108;
	_ =	swait.ge @!p0 [sflag:s8], $0x0  }
0x24: {  	s3 =	sadd.s32 $0x88, s3;
	s6 =	simm.s32 @!p1 $0x1082;
	[sflag:s4] =	ssyncset.s32 $0xFFFFF086  }
0x25: {  	[simem:s6], [sflag:s4] =	dma.local [hbm:s3], $0xF7A  }
0x26: {  	[smem:$0x3F9C] =	sst s1;
	(tag) =	ssettag s2;
	_ =	strace s9  }
0x27: {  	s1 =	sld [smem:$0x3FAC]  }
0x28: {  	s2 =	sld [smem:$0x3FAD]  }
0x29: {  	s4 =	sld [smem:$0x3FAF]  }
0x2a: {  	p0 =	seq.s32 s5, $0x0;
	s5 =	sld [smem:$0x3FB0]  }
0x2b: {  	s6 =	sld [smem:$0x3FB1]  }
0x2c: {  	s7 =	sld [smem:$0x3FB2]  }
0x2d: {  	s3 =	simm.s32 $0x108;
	s8 =	sld [smem:$0x3FB3]  }
0x2e: {  	s3 =	simm.s32 @!p0 $0x1082;
	s9 =	sld [smem:$0x3FB4]  }
0x2f: {  	lr =	sadd.s32 s0, s3;
	s0 =	sld [smem:$0x3FAB]  }
0x30: {  	s3 =	sld [smem:$0x3FAE]  }
0x31: {  	[smem:$0x3FB7] =	sst s10  }
0x32: {  	s10 =	sld [smem:$0x3FB5];
	_ =	sdelay $0x3  }
0x33: {  	p0 =	seq.s32 s10, $0x1;
	s10 =	sld [smem:$0x3FB7];
	_ =	sdelay $0x3  }
0x34: {  	[smem:$0x3FB7] =	sst s10  }
0x35: {  	s10 =	sld [smem:$0x3FB6];
	_ =	sdelay $0x3  }
0x36: {  	p1 =	seq.s32 s10, $0x1;
	s10 =	sld [smem:$0x3FB7];
	_ =	sdelay $0x3  }
0x37: {  	[smem:$0x3FB7] =	sst s10  }
0x38: {  	s10 =	sld [smem:$0x3FB8]  }
0x39: {  	_ = 	snop;
	(pc) =	sbr.ind lr, $3  }
0x3a: {  	_ = 	snop  }
0x3b: {  	_ = 	snop  }
0x3c: {  	p2 =	seq.s32 s10, $0x1;
	s10 =	sld [smem:$0x3FB7]  }
0x3d: {  	_ =	shalt  }
0x3e: {  	_ =	shalt  }
0x3f: {  	_ =	shalt  }
0x40: {  	_ =	shalt  }
0x41: {  	_ =	shalt  }
0x42: {  	_ =	shalt  }
0x43: {  	_ =	shalt  }
0x44: {  	_ =	shalt  }
0x45: {  	_ =	shalt  }
0x46: {  	_ =	shalt  }
0x47: {  	_ =	shalt  }
0x48: {  	_ =	shalt  }
0x49: {  	_ =	shalt  }
0x4a: {  	_ =	shalt  }
0x4b: {  	_ =	shalt  }
0x4c: {  	_ =	shalt  }
0x4d: {  	_ =	shalt  }
0x4e: {  	_ =	shalt  }
0x4f: {  	_ =	shalt  }
0x50: {  	_ =	shalt  }
0x51: {  	_ =	shalt  }
0x52: {  	_ =	shalt  }
0x53: {  	_ =	shalt  }
0x54: {  	_ =	shalt  }
0x55: {  	_ =	shalt  }
0x56: {  	_ =	shalt  }
0x57: {  	_ =	shalt  }
0x58: {  	_ =	shalt  }
0x59: {  	_ =	shalt  }
0x5a: {  	_ =	shalt  }
0x5b: {  	_ =	shalt  }
0x5c: {  	_ =	shalt  }
0x5d: {  	_ =	shalt  }
0x5e: {  	_ =	shalt  }
0x5f: {  	_ =	shalt  }
0x60: {  	_ =	shalt  }
0x61: {  	_ =	shalt  }
0x62: {  	_ =	shalt  }
0x63: {  	_ =	shalt  }
0x64: {  	_ =	shalt  }
0x65: {  	_ =	shalt  }
0x66: {  	_ =	shalt  }
0x67: {  	_ =	shalt  }
0x68: {  	_ =	shalt  }
0x69: {  	_ =	shalt  }
0x6a: {  	_ =	shalt  }
0x6b: {  	_ =	shalt  }
0x6c: {  	_ =	shalt  }
0x6d: {  	_ =	shalt  }
0x6e: {  	_ =	shalt  }
0x6f: {  	_ =	shalt  }
0x70: {  	_ =	shalt  }
0x71: {  	_ =	shalt  }
0x72: {  	_ =	shalt  }
0x73: {  	_ =	shalt  }
0x74: {  	_ =	shalt  }
0x75: {  	_ =	shalt  }
0x76: {  	_ =	shalt  }
0x77: {  	_ =	shalt  }
0x78: {  	_ =	shalt  }
0x79: {  	_ =	shalt  }
0x7a: {  	_ =	shalt  }
0x7b: {  	_ =	shalt  }
0x7c: {  	_ =	shalt  }
0x7d: {  	_ =	shalt  }
0x7e: {  	_ =	shalt  }
0x7f: {  	_ =	shalt  }
0x80: {  	_ =	shalt  }
0x81: {  	_ =	shalt  }
0x82: {  	_ =	shalt  }
0x83: {  	_ =	shalt  }
0x84: {  	_ =	shalt  }
0x85: {  	_ =	shalt  }
0x86: {  	_ =	shalt  }
0x87: {  	_ =	shalt  }
.Lfunc_end0:
.L_simem_size_0:
called_computation.1_lowered:
.L_overlay_start_0:
0x88: {  	s2 =	sld [smem:$0x3FD9]  }
0x89: {  	s3 =	sld [smem:$0x3FFE];
	_ =	sdelay $0x1  }
0x8a: {  	s1 =	srdreg.scid  }
0x8b: {  	s0 =	sand.u32 $0x1, s1  }
0x8c: {  	s17 =	sshll.u32 s0, $0xA;
	s2 =	sadd.s32 s3, s2  }
0x8d: {  	s2 =	sadd.s32 s2, s17  }
0x8e: {  	[smem:$0x3FC3] =	sst s2  }
0x8f: {  	_ = 	snop  }
0x90: {  	s2 =	sld [smem:$0x3FD0];
	(tm) =	ssettm $0x1  }
0x91: {  	s18 =	sld [smem:$0x3FFB];
	_ =	sdelay $0x3  }
0x92: {  	_ =	strace s18  }
0x93: {  	s3 =	sld [smem:$0x3FFC];
	_ =	sdelay $0x3  }
0x94: {  	_ =	strace s3  }
0x95: {  	s3 =	sld [smem:$0x3FFD];
	_ =	sdelay $0x3  }
0x96: {  	_ =	strace s3  }
0x97: {  	_ =	strace $0x8FFFFFFF  }
0x98: {  	s19 =	sld [smem:$0x3FDB];
	_ =	sdelay $0x1  }
0x99: {  	s4 =	simm.s32 $_scs_section_size  }
0x9a: {  	s5 =	simm.s32 $_size__tile_overlayer_lowered;
	s6 =	simm.s32 $_tile_overlayer_lowered  }
0x9b: {  	s22 =	simm.s32 $0x1BFF;
	s21 =	sshll.u32 s6, $0x1;
	s3 =	sadd.s32 s4, s19  }
0x9c: {  	s7 =	simm.s32 $0x0;
	s20 =	sshll.u32 s5, $0x1;
	s5 =	sadd.s32 s21, s3  }
0x9d: {  	[timem:s7], [sflag:s22] =	dma.local [hbm:s5], s20  }
0x9e: {  	_ =	swait.ge [sflag:s22], s20  }
0x9f: {  	s4 =	ssub.s32 $0x0, s20;
	[sflag:s22] =	ssyncset.done $0x0  }
0xa0: {  	[sflag:s22] =	ssyncadd.s32 s4;
	_ =	sdelay $0x1  }
0xa1: {  	s23 =	simm.s32 $0x1B8B  }
0xa2: {  	_ =	swait.ge [sflag:s23], $0x1  }
0xa3: {  	[sflag:s23] =	ssyncset.done $0x0  }
0xa4: {  	s25 =	simm.s32 $0x1B8E;
	s24 =	sld [smem:$0x3FFE];
	[sflag:s23] =	ssyncadd.s32 $0xFFFFFFFF  }
0xa5: {  	s26 =	simm.s32 $execute0_lowered;
	[smem:$0x3FD2] =	sst s25  }
0xa6: {  	s5 =	sshll.u32 s26, $0x1;
	_ =	strace $0x80000049;
	[dreg:$0x1] =	wrdreg $0xFFFFFFFF  }
0xa7: {  	s28 =	simm.s32 $_size_execute0_lowered;
	s3 =	sadd.s32 s3, s5;
	[dreg:$0x0] =	wrdreg $0x0  }
0xa8: {  	s5 =	sshll.u32 s28, $0x1;
	[dreg:$0x2] =	wrdreg s3  }
0xa9: {  	[dreg:$0x3] =	wrdreg s5  }
0xaa: {  	[dreg:$0x4] =	wrdreg $0xC0  }
0xab: {  	_ =	task [dreg:s7], $0x5FFFF  }
0xac: {  	[dreg:$0x1] =	wrdreg $0xFFFFFFFF  }
0xad: {  	[dreg:$0x0] =	wrdreg $0x60  }
0xae: {  	[dreg:$0x2] =	wrdreg s24  }
0xaf: {  	[dreg:$0x3] =	wrdreg s2  }
0xb0: {  	[dreg:$0x4] =	wrdreg $0x9  }
0xb1: {  	_ =	task.clear_ibuf [dreg:s7], $0x5FFFF;
	_ =	strace $0x90000049  }
0xb2: {  	s29 =	simm.s32 $0x9;
	_ =	strace $0x8000004B  }
0xb3: {  	_ =	swait.ge [sflag:s29], $0x1  }
0xb4: {  	[sflag:s29] =	ssyncadd.s32 $0xFFFFFFFF  }
0xb5: {  	_ =	strace $0x9000004B  }
0xb6: {  	_ =	sfence  }
0xb7: {  	s30 =	sld [smem:$0x0];
	_ =	sdelay $0x2  }
0xb8: {  	s31 =	sshll.u32 s1, $0xD;
	s1 =	sshrl.u32 s1, $0x2  }
0xb9: {  	s3 =	sand.u32 $0x4000, s31;
	s1 =	sadd.s32 s1, s30  }
0xba: {  	s0 =	sor.u32 s3, s0;
	s1 =	sshll.u32 s1, $0x11  }
0xbb: {  	s0 =	sor.u32 s1, s0  }
0xbc: {  	s0 =	sadd.s32 $0x8F2B, s0  }
0xbd: {  	[sflag:s0] =	ssyncadd.remote.s32 $0x1  }
0xbe: {  	_ =	sfence.sel $0xFFFF  }
0xbf: {  	[dreg:$0x0] =	wrdreg $0xFFFFFFFF;
	(pc) =	sbr.abs _section_cstart, $3  }
0xc0: {  	[dreg:$0x1] =	wrdreg $0xFFFFFFFF  }
0xc1: {  	_ =	task.clear_ibuf [dreg:s7], $0x2FFFF;
	_ =	strace $0x9FFFFFFF  }
0xc2: {  	(tm) =	ssettm $0x7FFFFFFF  }
0xc3: {  	_ =	shalt  }
tec
execute0_lowered:
.L_overlay_start_1:
0x0: {  	(tag) =	ssettag $0x1  }
0x1: {  	s1 =	srdreg.scid  }
0x2: {  	s0 =	stileid.u32;
	s11 =	sand.u32 $0x1, s1  }
0x3: {  	s12 =	rddreg [dreg:$0x0];
	s29 =	sshll.u32 s0, $0x7;
	s2 =	sshll.u32 s11, $0x6  }
0x4: {  	s9 =	rddreg [dreg:$0x1];
	s10 =	sor.u32 s2, s29  }
0x5: {  	s1 =	rddreg [dreg:$0x2];
	s2 =	simm.s32 $0x0;
	s3 =	sshrl.u32 s10, $0x3  }
0x6: {  	[smem:$0x7FF] =	sst s2;
	s13 =	sadd.s32 s3, s12  }
0x7: {  	_ =	strace $0x8000004A;
	s3 =	simm.s32 $0x2;
	s4 =	sadd.s32 $0xC1000, s13  }
0x8: {  	[tilespmem:s2], [sflag:$0x2] =	stream.linear.gather [hbm4b:s4+s2], $0x40, $0x38;
	[tilespmem:$0x10080] =	vst v63  }
0x9: {  	_ =	swait.ge [sflag:s3], $0x40  }
0xa: {  	s6 =	simm.s32 $0x40;
	s7 =	simm.s32 $0x80;
	[sflag:s3] =	ssyncset.done $0x0  }
0xb: {  	s8 =	simm.s32 $0x1;
	s5 =	sadd.s32 $0xC1200, s12;
	[sflag:s3] =	ssyncadd.s32 $0xFFFFFFC0  }
0xc: {  	[tilespmem:s7], [sflag:$0x1] =	stream.indirect.gather [hbm4b:s5+s6], $0x400, s2, s6, $0xb8;
	[tilespmem:$0x10080] =	vst v63  }
0xd: {  	_ =	swait.ge [sflag:s8], $0x10000  }
0xe: {  	s14 =	sshll.u32 s10, $0x7;
	[sflag:s8] =	ssyncset.done $0x0  }
0xf: {  	s9 =	sadd.s32 s9, s14;
	[sflag:s8] =	ssyncadd.s32 $0xFFFF0000  }
0x10: {  	[hbm4b:s9+s2] =	stream.linear.scatter [tilespmem:s7], [sflag:$0x2], $0x10000, $0x38;
	[tilespmem:$0x10080] =	vst v63  }
0x11: {  	_ =	swait.ge [sflag:s3], $0x10000  }
0x12: {  	[sflag:s3] =	ssyncset.done $0x0  }
0x13: {  	s11 =	ssub.s32 $0x2, s11;
	s10 =	sadd.s32 $0xC0E00, s13;
	[sflag:s3] =	ssyncadd.s32 $0xFFFF0000  }
0x14: {  	[tilespmem:s2], [sflag:$0x2] =	stream.linear.gather [hbm4b:s10+s2], $0x40, $0x38;
	[tilespmem:$0x10080] =	vst v63  }
0x15: {  	s30 =	sshrl.u32 s11, $0x1;
	_ =	swait.ge [sflag:s3], $0x40  }
0x16: {  	s13 =	ssub.s32 s11, s30;
	[sflag:s3] =	ssyncset.done $0x0  }
0x17: {  	s31 =	smax.u32 s13, $0x1;
	[sflag:s3] =	ssyncadd.s32 $0xFFFFFFC0  }
0x18: {  	[tilespmem:s7], [sflag:$0x1] =	stream.indirect.gather [hbm4b:s5+s6], $0x400, s2, s6, $0xb8;
	[tilespmem:$0x10080] =	vst v63  }
0x19: {  	p0 =	sne.s32 s31, $0x1;
	_ =	swait.ge [sflag:s8], $0x10000  }
.Ltmp0:
0x1a: {  	s12 =	sadd.s32 s14, s12;
	[sflag:s8] =	ssyncset.done $0x0;
	(pc) =	sbr.rel @!p0 .LBB2_2-.Ltmp0, $4  }
0x1b: {  	s11 =	sadd.s32 $0xC00, s12;
	[sflag:s8] =	ssyncadd.s32 $0xFFFF0000  }
0x1c: {  	[hbm4b:s11+s2] =	stream.linear.scatter [tilespmem:s7], [sflag:$0x2], $0x10000, $0x38;
	[tilespmem:$0x10080] =	vst v63  }
0x1d: {  	_ =	swait.ge [sflag:s3], $0x10000  }
0x1e: {  	s12 =	sadd.s32 $0xFFFFFFFF, s31;
	[sflag:s3] =	ssyncset.done $0x0  }
.LBB2_1:
0x1f: {  	p0 =	sne.s32 s12, $0x1;
	s12 =	sadd.s32 $0xFFFFFFFF, s12;
	[sflag:s3] =	ssyncadd.s32 $0xFFFF0000  }
0x20: {  	[tilespmem:s2], [sflag:$0x2] =	stream.linear.gather [hbm4b:s4+s2], $0x40, $0x38;
	[tilespmem:$0x10080] =	vst v63  }
0x21: {  	_ =	swait.ge [sflag:s3], $0x40  }
0x22: {  	[sflag:s3] =	ssyncset.done $0x0  }
0x23: {  	[sflag:s3] =	ssyncadd.s32 $0xFFFFFFC0  }
0x24: {  	[tilespmem:s7], [sflag:$0x1] =	stream.indirect.gather [hbm4b:s5+s6], $0x400, s2, s6, $0xb8;
	[tilespmem:$0x10080] =	vst v63  }
0x25: {  	_ =	swait.ge [sflag:s8], $0x10000  }
0x26: {  	[sflag:s8] =	ssyncset.done $0x0  }
0x27: {  	[sflag:s8] =	ssyncadd.s32 $0xFFFF0000  }
0x28: {  	[hbm4b:s9+s2] =	stream.linear.scatter [tilespmem:s7], [sflag:$0x2], $0x10000, $0x38;
	[tilespmem:$0x10080] =	vst v63  }
0x29: {  	_ =	swait.ge [sflag:s3], $0x10000  }
0x2a: {  	[sflag:s3] =	ssyncset.done $0x0  }
0x2b: {  	[sflag:s3] =	ssyncadd.s32 $0xFFFF0000  }
0x2c: {  	[tilespmem:s2], [sflag:$0x2] =	stream.linear.gather [hbm4b:s10+s2], $0x40, $0x38;
	[tilespmem:$0x10080] =	vst v63  }
0x2d: {  	_ =	swait.ge [sflag:s3], $0x40  }
0x2e: {  	[sflag:s3] =	ssyncset.done $0x0  }
0x2f: {  	[sflag:s3] =	ssyncadd.s32 $0xFFFFFFC0  }
0x30: {  	[tilespmem:s7], [sflag:$0x1] =	stream.indirect.gather [hbm4b:s5+s6], $0x400, s2, s6, $0xb8;
	[tilespmem:$0x10080] =	vst v63  }
0x31: {  	_ =	swait.ge [sflag:s8], $0x10000  }
.Ltmp1:
0x32: {  	[sflag:s8] =	ssyncset.done $0x0;
	(pc) =	sbr.rel @p0 .LBB2_1-.Ltmp1, $4  }
0x33: {  	[sflag:s8] =	ssyncadd.s32 $0xFFFF0000  }
0x34: {  	[hbm4b:s11+s2] =	stream.linear.scatter [tilespmem:s7], [sflag:$0x2], $0x10000, $0x38;
	[tilespmem:$0x10080] =	vst v63  }
0x35: {  	_ =	swait.ge [sflag:s3], $0x10000  }
0x36: {  	[sflag:s3] =	ssyncset.done $0x0  }
.LBB2_2:
0x37: {  	[sflag:s3] =	ssyncadd.s32 $0xFFFF0000  }
0x38: {  	_ =	sfence.sel $0x180000  }
0x39: {  	[bflag:$0x0] =	sbarrier.arrive $0xFFFF  }
0x3a: {  	p0 =	sne.s32 s0, $0x0;
	_ =	strace $0x9000004A  }
0x3b: {  	s0 =	sadd.s32 @!p0 $0x100000, s1;
	[bflag:$0x2] =	sbarrier.arrive $0xFFFF  }
0x3c: {  	[sflag:s0] =	ssyncadd.tile.s32 @!p0 $0x1;
	_ =	shalt  }
.Lfunc_end2:
_tile_overlayer_lowered:
.L_overlay_start_2:
0x3d: {  	(tag) =	ssettag $0x2  }
0x3e: {  	s0 =	rddreg [dreg:$0x0];
	s2 =	stileid.u32  }
0x3f: {  	s1 =	rddreg [dreg:$0x1];
	p0 =	sne.s32 s2, $0x0  }
0x40: {  	s3 =	rddreg [dreg:$0x2];
	[bflag:$0x3] =	sbarrier.arrive $0xFFFF;
	s2 =	simm.s32 @!p0 $0x1C02  }
0x41: {  	[timem:s3], [sflag:s2] =	dma.local @!p0 [hbm:s0], s1  }
0x42: {  	s0 =	simm.s32 @!p0 $0x2  }
0x43: {  	_ =	swait.ge @!p0 [sflag:s0], s1  }
0x44: {  	s1 =	ssub.s32 @!p0 $0x0, s1;
	[sflag:s0] =	ssyncset.done @!p0 $0x0  }
0x45: {  	[sflag:s0] =	ssyncadd.s32 @!p0 s1  }
0x46: {  	[bflag:$0x3] =	sbarrier.arrive $0xFFFF  }
0x47: {  	_ =	shalt  }

// kernel: kernel.7.cloned.1.call-start
scs
__scs_entry_jumppad:
0x0: {  	(pc) =	sbr.rel $0x88, $3  }
0x1: {  	(tag) =	ssettag $0x0;
	lr =	simm.s32 $0x1  }
0x2: {  	[smem:$0x3F9C] =	sst lr;
	_ =	strace $0xD0000000  }
0x3: {  	_ = 	snop  }
0x4: {  	_ = 	snop  }
0x5: {  	_ = 	snop  }
0x6: {  	_ = 	snop  }
0x7: {  	_ = 	snop  }
__scs_overlays_trampoline_lowered:
0x8: {  	[smem:$0x3FAB] =	sst s0  }
0x9: {  	[smem:$0x3FAC] =	sst s1  }
0xa: {  	[smem:$0x3FAD] =	sst s2  }
0xb: {  	[smem:$0x3FAE] =	sst s3  }
0xc: {  	[smem:$0x3FAF] =	sst s4  }
0xd: {  	[smem:$0x3FB0] =	sst s5  }
0xe: {  	[smem:$0x3FB1] =	sst s6  }
0xf: {  	[smem:$0x3FB2] =	sst s7  }
0x10: {  	[smem:$0x3FB3] =	sst s8  }
0x11: {  	[smem:$0x3FB4] =	sst s9;
	s0 =	simm.s32 @!p0 $0x0  }
0x12: {  	s1 =	sld [smem:$0x3F9A];
	s0 =	simm.s32 @p0 $0x1  }
0x13: {  	[smem:$0x3FB5] =	sst s0;
	s0 =	simm.s32 @!p1 $0x0  }
0x14: {  	s2 =	sld [smem:$0x3F99];
	s0 =	simm.s32 @p1 $0x1  }
0x15: {  	[smem:$0x3FB6] =	sst s0;
	s0 =	simm.s32 @!p2 $0x0  }
0x16: {  	s3 =	sld [smem:$0x3FDB];
	s0 =	simm.s32 @p2 $0x1  }
0x17: {  	s4 =	simm.s32 $0x1BF5;
	[smem:$0x3FB8] =	sst s0  }
0x18: {  	s0 =	sld [smem:$0x3F9B];
	_ =	swait.ge [sflag:s4], $0x0  }
0x19: {  	s7 =	sld [smem:$0x3F9C]  }
0x1a: {  	s8 =	sadd.s32 $0xFFFFE003, lr  }
0x1b: {  	s9 =	sadd.s32 $0xFFFFFEF7, lr;
	s5 =	simm.s32 $0xFFFFFFFF;
	p2 =	slt.u32 s8, $0xFFFFF086  }
0x1c: {  	p1 =	slt.u32 s9, $0xF7A;
	s5 =	simm.s32 @!p2 $0x0  }
0x1d: {  	s5 =	simm.s32 @p1 $0x1;
	p0 =	seq.s32 s7, s2  }
0x1e: {  	s7 =	smul.u32 @!p0 $0xF7A, s2;
	p2 =	seq.s32 @!p0 s5, $0x0  }
0x1f: {  	s9 =	smul.u32 $0xF7A, s1;
	s8 =	simm.s32 @!p0 $0x1BF5;
	p2 =	por !p2, p0  }
0x20: {  	[sflag:s8] =	ssyncset.s32 @!p0 $0xFFFFF086;
	s6 =	sadd.s32 @!p0 s3, s7;
	s7 =	simm.s32 @!p0 $0x108  }
0x21: {  	s3 =	sadd.s32 s3, s9;
	s6 =	sadd.s32 @!p0 $0x88, s6;
	s7 =	simm.s32 @p2 $0x1082  }
0x22: {  	[simem:s7], [sflag:s8] =	dma.local @!p0 [hbm:s6], $0xF7A  }
0x23: {  	s9 =	sor.u32 $0xD0000000, s2;
	s6 =	simm.s32 $0x108;
	_ =	swait.ge @!p0 [sflag:s8], $0x0  }
0x24: {  	s3 =	sadd.s32 $0x88, s3;
	s6 =	simm.s32 @!p1 $0x1082;
	[sflag:s4] =	ssyncset.s32 $0xFFFFF086  }
0x25: {  	[simem:s6], [sflag:s4] =	dma.local [hbm:s3], $0xF7A  }
0x26: {  	[smem:$0x3F9C] =	sst s1;
	(tag) =	ssettag s2;
	_ =	strace s9  }
0x27: {  	s1 =	sld [smem:$0x3FAC]  }
0x28: {  	s2 =	sld [smem:$0x3FAD]  }
0x29: {  	s4 =	sld [smem:$0x3FAF]  }
0x2a: {  	p0 =	seq.s32 s5, $0x0;
	s5 =	sld [smem:$0x3FB0]  }
0x2b: {  	s6 =	sld [smem:$0x3FB1]  }
0x2c: {  	s7 =	sld [smem:$0x3FB2]  }
0x2d: {  	s3 =	simm.s32 $0x108;
	s8 =	sld [smem:$0x3FB3]  }
0x2e: {  	s3 =	simm.s32 @!p0 $0x1082;
	s9 =	sld [smem:$0x3FB4]  }
0x2f: {  	lr =	sadd.s32 s0, s3;
	s0 =	sld [smem:$0x3FAB]  }
0x30: {  	s3 =	sld [smem:$0x3FAE]  }
0x31: {  	[smem:$0x3FB7] =	sst s10  }
0x32: {  	s10 =	sld [smem:$0x3FB5];
	_ =	sdelay $0x3  }
0x33: {  	p0 =	seq.s32 s10, $0x1;
	s10 =	sld [smem:$0x3FB7];
	_ =	sdelay $0x3  }
0x34: {  	[smem:$0x3FB7] =	sst s10  }
0x35: {  	s10 =	sld [smem:$0x3FB6];
	_ =	sdelay $0x3  }
0x36: {  	p1 =	seq.s32 s10, $0x1;
	s10 =	sld [smem:$0x3FB7];
	_ =	sdelay $0x3  }
0x37: {  	[smem:$0x3FB7] =	sst s10  }
0x38: {  	s10 =	sld [smem:$0x3FB8]  }
0x39: {  	_ = 	snop;
	(pc) =	sbr.ind lr, $3  }
0x3a: {  	_ = 	snop  }
0x3b: {  	_ = 	snop  }
0x3c: {  	p2 =	seq.s32 s10, $0x1;
	s10 =	sld [smem:$0x3FB7]  }
0x3d: {  	_ =	shalt  }
0x3e: {  	_ =	shalt  }
0x3f: {  	_ =	shalt  }
0x40: {  	_ =	shalt  }
0x41: {  	_ =	shalt  }
0x42: {  	_ =	shalt  }
0x43: {  	_ =	shalt  }
0x44: {  	_ =	shalt  }
0x45: {  	_ =	shalt  }
0x46: {  	_ =	shalt  }
0x47: {  	_ =	shalt  }
0x48: {  	_ =	shalt  }
0x49: {  	_ =	shalt  }
0x4a: {  	_ =	shalt  }
0x4b: {  	_ =	shalt  }
0x4c: {  	_ =	shalt  }
0x4d: {  	_ =	shalt  }
0x4e: {  	_ =	shalt  }
0x4f: {  	_ =	shalt  }
0x50: {  	_ =	shalt  }
0x51: {  	_ =	shalt  }
0x52: {  	_ =	shalt  }
0x53: {  	_ =	shalt  }
0x54: {  	_ =	shalt  }
0x55: {  	_ =	shalt  }
0x56: {  	_ =	shalt  }
0x57: {  	_ =	shalt  }
0x58: {  	_ =	shalt  }
0x59: {  	_ =	shalt  }
0x5a: {  	_ =	shalt  }
0x5b: {  	_ =	shalt  }
0x5c: {  	_ =	shalt  }
0x5d: {  	_ =	shalt  }
0x5e: {  	_ =	shalt  }
0x5f: {  	_ =	shalt  }
0x60: {  	_ =	shalt  }
0x61: {  	_ =	shalt  }
0x62: {  	_ =	shalt  }
0x63: {  	_ =	shalt  }
0x64: {  	_ =	shalt  }
0x65: {  	_ =	shalt  }
0x66: {  	_ =	shalt  }
0x67: {  	_ =	shalt  }
0x68: {  	_ =	shalt  }
0x69: {  	_ =	shalt  }
0x6a: {  	_ =	shalt  }
0x6b: {  	_ =	shalt  }
0x6c: {  	_ =	shalt  }
0x6d: {  	_ =	shalt  }
0x6e: {  	_ =	shalt  }
0x6f: {  	_ =	shalt  }
0x70: {  	_ =	shalt  }
0x71: {  	_ =	shalt  }
0x72: {  	_ =	shalt  }
0x73: {  	_ =	shalt  }
0x74: {  	_ =	shalt  }
0x75: {  	_ =	shalt  }
0x76: {  	_ =	shalt  }
0x77: {  	_ =	shalt  }
0x78: {  	_ =	shalt  }
0x79: {  	_ =	shalt  }
0x7a: {  	_ =	shalt  }
0x7b: {  	_ =	shalt  }
0x7c: {  	_ =	shalt  }
0x7d: {  	_ =	shalt  }
0x7e: {  	_ =	shalt  }
0x7f: {  	_ =	shalt  }
0x80: {  	_ =	shalt  }
0x81: {  	_ =	shalt  }
0x82: {  	_ =	shalt  }
0x83: {  	_ =	shalt  }
0x84: {  	_ =	shalt  }
0x85: {  	_ =	shalt  }
0x86: {  	_ =	shalt  }
0x87: {  	_ =	shalt  }
.Lfunc_end0:
.L_simem_size_0:
called_computation_lowered:
.L_overlay_start_0:
0x88: {  	s2 =	sld [smem:$0x3FD9]  }
0x89: {  	s3 =	sld [smem:$0x3FFE];
	_ =	sdelay $0x1  }
0x8a: {  	s1 =	srdreg.scid  }
0x8b: {  	s0 =	sand.u32 $0x1, s1  }
0x8c: {  	s17 =	sshll.u32 s0, $0xA;
	s2 =	sadd.s32 s3, s2  }
0x8d: {  	s2 =	sadd.s32 s2, s17  }
0x8e: {  	[smem:$0x3FC3] =	sst s2  }
0x8f: {  	_ = 	snop  }
0x90: {  	s2 =	sld [smem:$0x3FD0];
	(tm) =	ssettm $0x1  }
0x91: {  	s18 =	sld [smem:$0x3FFB];
	_ =	sdelay $0x3  }
0x92: {  	_ =	strace s18  }
0x93: {  	s3 =	sld [smem:$0x3FFC];
	_ =	sdelay $0x3  }
0x94: {  	_ =	strace s3  }
0x95: {  	s3 =	sld [smem:$0x3FFD];
	_ =	sdelay $0x3  }
0x96: {  	_ =	strace s3  }
0x97: {  	_ =	strace $0x8FFFFFFF  }
0x98: {  	s19 =	sld [smem:$0x3FDB];
	_ =	sdelay $0x1  }
0x99: {  	s4 =	simm.s32 $_scs_section_size  }
0x9a: {  	s5 =	simm.s32 $_size__tile_overlayer_lowered;
	s6 =	simm.s32 $_tile_overlayer_lowered  }
0x9b: {  	s22 =	simm.s32 $0x1BFF;
	s21 =	sshll.u32 s6, $0x1;
	s3 =	sadd.s32 s4, s19  }
0x9c: {  	s7 =	simm.s32 $0x0;
	s20 =	sshll.u32 s5, $0x1;
	s5 =	sadd.s32 s21, s3  }
0x9d: {  	[timem:s7], [sflag:s22] =	dma.local [hbm:s5], s20  }
0x9e: {  	_ =	swait.ge [sflag:s22], s20  }
0x9f: {  	s4 =	ssub.s32 $0x0, s20;
	[sflag:s22] =	ssyncset.done $0x0  }
0xa0: {  	[sflag:s22] =	ssyncadd.s32 s4;
	_ =	sdelay $0x1  }
0xa1: {  	s23 =	simm.s32 $0x1B8B  }
0xa2: {  	_ =	swait.ge [sflag:s23], $0x1  }
0xa3: {  	[sflag:s23] =	ssyncset.done $0x0  }
0xa4: {  	s25 =	simm.s32 $0x1B8E;
	s24 =	sld [smem:$0x3FFE];
	[sflag:s23] =	ssyncadd.s32 $0xFFFFFFFF  }
0xa5: {  	s26 =	simm.s32 $execute0_lowered;
	[smem:$0x3FD2] =	sst s25  }
0xa6: {  	s5 =	sshll.u32 s26, $0x1;
	_ =	strace $0x80000046;
	[dreg:$0x1] =	wrdreg $0xFFFFFFFF  }
0xa7: {  	s28 =	simm.s32 $_size_execute0_lowered;
	s3 =	sadd.s32 s3, s5;
	[dreg:$0x0] =	wrdreg $0x0  }
0xa8: {  	s5 =	sshll.u32 s28, $0x1;
	[dreg:$0x2] =	wrdreg s3  }
0xa9: {  	[dreg:$0x3] =	wrdreg s5  }
0xaa: {  	[dreg:$0x4] =	wrdreg $0xC0  }
0xab: {  	_ =	task [dreg:s7], $0x5FFFF  }
0xac: {  	[dreg:$0x1] =	wrdreg $0xFFFFFFFF  }
0xad: {  	[dreg:$0x0] =	wrdreg $0x60  }
0xae: {  	[dreg:$0x2] =	wrdreg s24  }
0xaf: {  	[dreg:$0x3] =	wrdreg s2  }
0xb0: {  	[dreg:$0x4] =	wrdreg $0x9  }
0xb1: {  	_ =	task.clear_ibuf [dreg:s7], $0x5FFFF;
	_ =	strace $0x90000046  }
0xb2: {  	s29 =	simm.s32 $0x9;
	_ =	strace $0x80000048  }
0xb3: {  	_ =	swait.ge [sflag:s29], $0x1  }
0xb4: {  	[sflag:s29] =	ssyncadd.s32 $0xFFFFFFFF  }
0xb5: {  	_ =	strace $0x90000048  }
0xb6: {  	_ =	sfence  }
0xb7: {  	s30 =	sld [smem:$0x0];
	_ =	sdelay $0x2  }
0xb8: {  	s31 =	sshll.u32 s1, $0xD;
	s1 =	sshrl.u32 s1, $0x2  }
0xb9: {  	s3 =	sand.u32 $0x4000, s31;
	s1 =	sadd.s32 s1, s30  }
0xba: {  	s0 =	sor.u32 s3, s0;
	s1 =	sshll.u32 s1, $0x11  }
0xbb: {  	s0 =	sor.u32 s1, s0  }
0xbc: {  	s0 =	sadd.s32 $0x8F2B, s0  }
0xbd: {  	[sflag:s0] =	ssyncadd.remote.s32 $0x1  }
0xbe: {  	_ =	sfence.sel $0xFFFF  }
0xbf: {  	[dreg:$0x0] =	wrdreg $0xFFFFFFFF;
	(pc) =	sbr.abs _section_cstart, $3  }
0xc0: {  	[dreg:$0x1] =	wrdreg $0xFFFFFFFF  }
0xc1: {  	_ =	task.clear_ibuf [dreg:s7], $0x2FFFF;
	_ =	strace $0x9FFFFFFF  }
0xc2: {  	(tm) =	ssettm $0x7FFFFFFF  }
0xc3: {  	_ =	shalt  }
tec
execute0_lowered:
.L_overlay_start_1:
0x0: {  	(tag) =	ssettag $0x1  }
0x1: {  	s7 =	rddreg [dreg:$0x0]  }
0x2: {  	s11 =	rddreg [dreg:$0x1];
	s3 =	srdreg.scid  }
0x3: {  	s0 =	rddreg [dreg:$0x2];
	s1 =	stileid.u32;
	s12 =	sand.u32 $0x1, s3  }
0x4: {  	s2 =	simm.s32 $0x0;
	s28 =	sshll.u32 s1, $0x8;
	s5 =	sshll.u32 s12, $0x7  }
0x5: {  	[smem:$0x7FF] =	sst s2;
	s13 =	sadd.s32 $0xC00, s7;
	s10 =	sor.u32 s5, s28  }
0x6: {  	s29 =	sshll.u32 s1, $0x7;
	_ =	strace $0x80000047;
	s4 =	sshrl.u32 s10, $0x3  }
0x7: {  	s14 =	sand.u32 $0x700, s29;
	s3 =	sadd.s32 s13, s4;
	s4 =	simm.s32 $0x2  }
0x8: {  	[tilespmem:s2], [sflag:$0x2] =	stream.linear.gather [hbm4b:s3+s2], $0x40, $0x38;
	[tilespmem:$0x10080] =	vst v63  }
0x9: {  	s5 =	sor.u32 s5, s14;
	_ =	swait.ge [sflag:s4], $0x40  }
0xa: {  	s5 =	sshll.u32 s5, $0x7;
	[sflag:s4] =	ssyncset.done $0x0  }
0xb: {  	s6 =	simm.s32 $0x80;
	s5 =	sadd.s32 s11, s5;
	[sflag:s4] =	ssyncadd.s32 $0xFFFFFFC0  }
0xc: {  	[tilespmem:s6], [sflag:$0x2] =	stream.linear.gather [hbm4b:s5+s2], $0x10000, $0x38;
	[tilespmem:$0x10080] =	vst v63  }
0xd: {  	_ =	swait.ge [sflag:s4], $0x10000  }
0xe: {  	s9 =	simm.s32 $0x40;
	[sflag:s4] =	ssyncset.done $0x0  }
0xf: {  	s8 =	simm.s32 $0x1;
	s7 =	sadd.s32 $0xE00, s7;
	[sflag:s4] =	ssyncadd.s32 $0xFFFF0000  }
0x10: {  	[hbm4b:s7+s9] =	stream.indirect.scatter [tilespmem:s6], [sflag:$0x1], $0x400, s2, s9, $0xb8;
	[tilespmem:$0x10080] =	vst v63  }
0x11: {  	s15 =	sor.u32 $0x40, s10;
	_ =	swait.ge [sflag:s8], $0x10000  }
0x12: {  	s12 =	ssub.s32 $0x2, s12;
	s10 =	sshrl.u32 s15, $0x3;
	[sflag:s8] =	ssyncset.done $0x0  }
0x13: {  	s30 =	sand.u32 $0xC0, s15;
	s10 =	sadd.s32 s13, s10;
	[sflag:s8] =	ssyncadd.s32 $0xFFFF0000  }
0x14: {  	[tilespmem:s2], [sflag:$0x2] =	stream.linear.gather [hbm4b:s10+s2], $0x40, $0x38;
	[tilespmem:$0x10080] =	vst v63  }
0x15: {  	s31 =	sshrl.u32 s12, $0x1;
	s13 =	sor.u32 s14, s30;
	_ =	swait.ge [sflag:s4], $0x40  }
0x16: {  	s12 =	ssub.s32 s12, s31;
	s13 =	sshll.u32 s13, $0x7;
	[sflag:s4] =	ssyncset.done $0x0  }
0x17: {  	s12 =	smax.u32 s12, $0x1;
	s11 =	sadd.s32 s11, s13;
	[sflag:s4] =	ssyncadd.s32 $0xFFFFFFC0  }
0x18: {  	[tilespmem:s6], [sflag:$0x2] =	stream.linear.gather [hbm4b:s11+s2], $0x10000, $0x38;
	[tilespmem:$0x10080] =	vst v63  }
0x19: {  	p0 =	sne.s32 s12, $0x1;
	_ =	swait.ge [sflag:s4], $0x10000  }
.Ltmp0:
0x1a: {  	[sflag:s4] =	ssyncset.done $0x0;
	(pc) =	sbr.rel @!p0 .LBB2_2-.Ltmp0, $4  }
0x1b: {  	[sflag:s4] =	ssyncadd.s32 $0xFFFF0000  }
0x1c: {  	[hbm4b:s7+s9] =	stream.indirect.scatter [tilespmem:s6], [sflag:$0x1], $0x400, s2, s9, $0xb8;
	[tilespmem:$0x10080] =	vst v63  }
0x1d: {  	_ =	swait.ge [sflag:s8], $0x10000  }
0x1e: {  	s12 =	sadd.s32 $0xFFFFFFFF, s12;
	[sflag:s8] =	ssyncset.done $0x0  }
.LBB2_1:
0x1f: {  	p0 =	sne.s32 s12, $0x1;
	s12 =	sadd.s32 $0xFFFFFFFF, s12;
	[sflag:s8] =	ssyncadd.s32 $0xFFFF0000  }
0x20: {  	[tilespmem:s2], [sflag:$0x2] =	stream.linear.gather [hbm4b:s3+s2], $0x40, $0x38;
	[tilespmem:$0x10080] =	vst v63  }
0x21: {  	_ =	swait.ge [sflag:s4], $0x40  }
0x22: {  	[sflag:s4] =	ssyncset.done $0x0  }
0x23: {  	[sflag:s4] =	ssyncadd.s32 $0xFFFFFFC0  }
0x24: {  	[tilespmem:s6], [sflag:$0x2] =	stream.linear.gather [hbm4b:s5+s2], $0x10000, $0x38;
	[tilespmem:$0x10080] =	vst v63  }
0x25: {  	_ =	swait.ge [sflag:s4], $0x10000  }
0x26: {  	[sflag:s4] =	ssyncset.done $0x0  }
0x27: {  	[sflag:s4] =	ssyncadd.s32 $0xFFFF0000  }
0x28: {  	[hbm4b:s7+s9] =	stream.indirect.scatter [tilespmem:s6], [sflag:$0x1], $0x400, s2, s9, $0xb8;
	[tilespmem:$0x10080] =	vst v63  }
0x29: {  	_ =	swait.ge [sflag:s8], $0x10000  }
0x2a: {  	[sflag:s8] =	ssyncset.done $0x0  }
0x2b: {  	[sflag:s8] =	ssyncadd.s32 $0xFFFF0000  }
0x2c: {  	[tilespmem:s2], [sflag:$0x2] =	stream.linear.gather [hbm4b:s10+s2], $0x40, $0x38;
	[tilespmem:$0x10080] =	vst v63  }
0x2d: {  	_ =	swait.ge [sflag:s4], $0x40  }
0x2e: {  	[sflag:s4] =	ssyncset.done $0x0  }
0x2f: {  	[sflag:s4] =	ssyncadd.s32 $0xFFFFFFC0  }
0x30: {  	[tilespmem:s6], [sflag:$0x2] =	stream.linear.gather [hbm4b:s11+s2], $0x10000, $0x38;
	[tilespmem:$0x10080] =	vst v63  }
0x31: {  	_ =	swait.ge [sflag:s4], $0x10000  }
.Ltmp1:
0x32: {  	[sflag:s4] =	ssyncset.done $0x0;
	(pc) =	sbr.rel @p0 .LBB2_1-.Ltmp1, $4  }
0x33: {  	[sflag:s4] =	ssyncadd.s32 $0xFFFF0000  }
0x34: {  	[hbm4b:s7+s9] =	stream.indirect.scatter [tilespmem:s6], [sflag:$0x1], $0x400, s2, s9, $0xb8;
	[tilespmem:$0x10080] =	vst v63  }
0x35: {  	_ =	swait.ge [sflag:s8], $0x10000  }
0x36: {  	[sflag:s8] =	ssyncset.done $0x0  }
.LBB2_2:
0x37: {  	[sflag:s8] =	ssyncadd.s32 $0xFFFF0000  }
0x38: {  	_ =	sfence.sel $0x180000  }
0x39: {  	[bflag:$0x0] =	sbarrier.arrive $0xFFFF  }
0x3a: {  	p0 =	sne.s32 s1, $0x0;
	_ =	strace $0x90000047  }
0x3b: {  	s0 =	sadd.s32 @!p0 $0x100000, s0;
	[bflag:$0x2] =	sbarrier.arrive $0xFFFF  }
0x3c: {  	[sflag:s0] =	ssyncadd.tile.s32 @!p0 $0x1;
	_ =	shalt  }
.Lfunc_end2:
_tile_overlayer_lowered:
.L_overlay_start_2:
0x3d: {  	(tag) =	ssettag $0x2  }
0x3e: {  	s0 =	rddreg [dreg:$0x0];
	s2 =	stileid.u32  }
0x3f: {  	s1 =	rddreg [dreg:$0x1];
	p0 =	sne.s32 s2, $0x0  }
0x40: {  	s3 =	rddreg [dreg:$0x2];
	[bflag:$0x3] =	sbarrier.arrive $0xFFFF;
	s2 =	simm.s32 @!p0 $0x1C02  }
0x41: {  	[timem:s3], [sflag:s2] =	dma.local @!p0 [hbm:s0], s1  }
0x42: {  	s0 =	simm.s32 @!p0 $0x2  }
0x43: {  	_ =	swait.ge @!p0 [sflag:s0], s1  }
0x44: {  	s1 =	ssub.s32 @!p0 $0x0, s1;
	[sflag:s0] =	ssyncset.done @!p0 $0x0  }
0x45: {  	[sflag:s0] =	ssyncadd.s32 @!p0 s1  }
0x46: {  	[bflag:$0x3] =	sbarrier.arrive $0xFFFF  }
0x47: {  	_ =	shalt  }

</sc_bundles>
